<compile_context>
chip_gen: v7x
topology: tpu7x:2x2x1
jax: 0.10.2.dev20260603
libtpu: 0.0.44.dev20260713+nightly
codegen_flags: <defaults>
</compile_context>

<pallas_src>
import functools

import jax
import jax.numpy as jnp
from jax import lax
from jax.experimental import pallas as pl
from jax.experimental.pallas import tpu as pltpu
from jax.experimental.pallas import tpu_sc as plsc

TOTAL_TOKENS = 32768
B = 16
VOCAB = 100
DIM = 4
CLASSES = 2
LANES = 16
NSUB = 16
CHUNK = TOTAL_TOKENS // NSUB
SLOTS = DIM + 1
GROUP = 128
ACC = B * GROUP
OUTPAD = 16
UNROLL = 4

_mesh = plsc.VectorSubcoreMesh(
    core_axis_name="c", subcore_axis_name="s", num_cores=1
)


@functools.partial(
    pl.kernel,
    mesh=_mesh,
    out_type=jax.ShapeDtypeStruct((B, OUTPAD), jnp.float32),
    compiler_params=pltpu.CompilerParams(needs_layout_passes=False),
    scratch_types=[
        pltpu.VMEM((CHUNK,), jnp.int32),
        pltpu.VMEM((CHUNK,), jnp.int32),
        pltpu.VMEM((VOCAB * DIM,), jnp.float32),
        pltpu.VMEM((ACC,), jnp.float32),
        pltpu.VMEM((NSUB, GROUP), jnp.float32),
        pltpu.VMEM((LANES,), jnp.float32),
        pltpu.VMEM((OUTPAD,), jnp.float32),
        pltpu.VMEM_SHARED((NSUB, ACC), jnp.float32),
        pltpu.SemaphoreType.DMA,
    ],
)
def _sc_pool(tok_hbm, seg_hbm, emb_hbm, w_hbm, b_hbm, out_hbm,
             tok_v, seg_v, emb_v, acc, red_v, wb_v, outrow,
             shacc, sem):
    sid = lax.axis_index("s")
    base = sid * CHUNK
    lane = lax.iota(jnp.int32, LANES)

    h_tok = pltpu.async_copy(tok_hbm.at[pl.ds(base, CHUNK)], tok_v, sem)
    h_seg = pltpu.async_copy(seg_hbm.at[pl.ds(base, CHUNK)], seg_v, sem)
    h_emb = pltpu.async_copy(emb_hbm, emb_v, sem)
    h_w = pltpu.async_copy(w_hbm, wb_v.at[pl.ds(0, DIM * CLASSES)], sem)
    h_b = pltpu.async_copy(b_hbm, wb_v.at[pl.ds(DIM * CLASSES, CLASSES)], sem)

    zeros16 = jnp.zeros((LANES,), jnp.float32)
    for g in range(B):
        for t in range(SLOTS):
            acc[pl.ds(g * GROUP + t * LANES, LANES)] = zeros16

    h_tok.wait()
    h_seg.wait()
    h_emb.wait()
    h_w.wait()
    h_b.wait()

    ones16 = jnp.ones((LANES,), jnp.float32)

    def step(i, carry):
        off = i * (LANES * UNROLL)
        sidxs, embs = [], []
        for u in range(UNROLL):
            tok = tok_v[pl.ds(off + u * LANES, LANES)]
            seg = seg_v[pl.ds(off + u * LANES, LANES)]
            sidxs.append(seg * GROUP + lane)
            tok4 = tok * DIM
            embs.append([plsc.load_gather(emb_v, [tok4 + d])
                         for d in range(DIM)])
        for u in range(UNROLL):
            for d in range(DIM):
                plsc.addupdate_scatter(acc, [sidxs[u] + d * LANES], embs[u][d])
            plsc.addupdate_scatter(acc, [sidxs[u] + DIM * LANES], ones16)
        return carry

    lax.fori_loop(0, CHUNK // (LANES * UNROLL), step, 0)

    pltpu.sync_copy(acc, shacc.at[sid])
    plsc.subcore_barrier()

    pltpu.sync_copy(shacc.at[:, pl.ds(sid * GROUP, GROUP)], red_v)
    totals = []
    for t in range(SLOTS):
        v = red_v[0, pl.ds(t * LANES, LANES)]
        for k in range(1, NSUB):
            v = v + red_v[k, pl.ds(t * LANES, LANES)]
        totals.append(jnp.sum(v))

    def bc(x):
        return jnp.full((LANES,), x, jnp.float32)

    cnt = jnp.maximum(bc(totals[SLOTS - 1]), 1.0)
    pooled = [bc(totals[d]) / cnt for d in range(DIM)]
    wb = wb_v[...]
    logits = []
    for c in range(CLASSES):
        l = bc(wb[DIM * CLASSES + c])
        for d in range(DIM):
            l = l + pooled[d] * bc(wb[d * CLASSES + c])
        logits.append(l)
    m = jnp.maximum(logits[0], logits[1])
    e0 = jnp.exp(logits[0] - m)
    e1 = jnp.exp(logits[1] - m)
    den = e0 + e1
    row = jnp.where(lane == 0, e0 / den,
                    jnp.where(lane == 1, e1 / den, zeros16))
    outrow[...] = row
    pltpu.sync_copy(outrow, out_hbm.at[sid])


def kernel(tokens, segment_ids, emb_table, W, b):
    out = _sc_pool(tokens, segment_ids, emb_table.reshape(VOCAB * DIM),
                   W.reshape(DIM * CLASSES), b)
    return out[:, :CLASSES]

# --- scband reference (transcript-rebuilt; emitter-appended) ---
"""Pipeline reference for scband-my-model-87522843559449 (READ-ONLY COPY).

The authoritative reference and input builder live on the scoring server;
editing this copy changes nothing except your own understanding.
"""

import jax, jax.numpy as jnp
import numpy as np

B = 16
TOTAL_TOKENS = 32768
VOCAB = 100
DIM = 4
CLASSES = 2


def setup_inputs(seed: int = 0) -> dict:
    key = jax.random.key(seed)
    k1, k2, k3, k4 = jax.random.split(key, 4)
    tokens = jax.random.randint(k1, (TOTAL_TOKENS,), 0, VOCAB, dtype=jnp.int32)
    segment_ids = jnp.sort(jax.random.randint(k2, (TOTAL_TOKENS,), 0, B, dtype=jnp.int32))
    emb_table = jax.random.normal(k3, (VOCAB, DIM), dtype=jnp.float32) * 0.05
    W = jax.random.normal(k4, (DIM, CLASSES), dtype=jnp.float32) * 0.5
    b = jnp.zeros((CLASSES,), dtype=jnp.float32)
    return {"tokens": tokens, "segment_ids": segment_ids, "emb_table": emb_table, "W": W, "b": b}


def reference(tokens, segment_ids, emb_table, W, b):
    # Embedding lookup: ragged int tokens -> float32[total_tokens, DIM]
    x = jnp.take(emb_table, tokens, axis=0)
    # tf.reduce_mean over ragged axis 1 == per-segment mean over tokens
    sums = jax.ops.segment_sum(x, segment_ids, num_segments=B)
    counts = jax.ops.segment_sum(jnp.ones((tokens.shape[0], 1), dtype=x.dtype), segment_ids, num_segments=B)
    pooled = sums / jnp.maximum(counts, 1.0)
    # Dense(2, activation='softmax')
    logits = pooled @ W + b
    return jax.nn.softmax(logits, axis=-1)

if __name__ == "__main__":
    import jax
    _d = setup_inputs()
    print(jax.jit(kernel)(*tuple(_d.values())))

</pallas_src>

<mosaic_0001>
#map = affine_map<(d0, d1) -> (0)>
#map1 = affine_map<(d0, d1) -> (0, 0)>
module attributes {stable_mosaic.version = 14 : i64} {
  func.func @_sc_pool(%arg0: i32, %arg1: i32, %arg2: memref<32768xi32, #tpu.memory_space<hbm>>, %arg3: memref<32768xi32, #tpu.memory_space<hbm>>, %arg4: memref<400xf32, #tpu.memory_space<hbm>>, %arg5: memref<8xf32, #tpu.memory_space<hbm>>, %arg6: memref<2xf32, #tpu.memory_space<hbm>>, %arg7: memref<16x16xf32, #tpu.memory_space<hbm>>, %arg8: memref<2048xi32, #tpu.memory_space<vmem>>, %arg9: memref<2048xi32, #tpu.memory_space<vmem>>, %arg10: memref<400xf32, #tpu.memory_space<vmem>>, %arg11: memref<2048xf32, #tpu.memory_space<vmem>>, %arg12: memref<16x128xf32, #tpu.memory_space<vmem>>, %arg13: memref<16xf32, #tpu.memory_space<vmem>>, %arg14: memref<16xf32, #tpu.memory_space<vmem>>, %arg15: memref<16x2048xf32, #tpu.memory_space<vmem_shared>>, %arg16: memref<!tpu.dma_semaphore, #tpu.memory_space<semaphore_mem>>) attributes {dimension_semantics = [#tpu.dimension_semantics<core_parallel>, #tpu.dimension_semantics<subcore_parallel>], iteration_bounds = array<i64: 1, 16>, scalar_prefetch = 0 : i64, scratch_operands = 9 : i64, tpu.core_type = #tpu.core_type<sc_vector_subcore>, window_params = [{transform_indices = #map}, {transform_indices = #map}, {transform_indices = #map}, {transform_indices = #map}, {transform_indices = #map}, {transform_indices = #map1}]} {
    %mul3A = arith.constant 2048 : i32
    %mul3A_0 = arith.muli %arg1, %mul3A : i32
    %iota3A = tpu.iota {dimensions = array<i32: 0>} : vector<16xi32>
    %dma_start3A = tpu.memref_slice %arg2[%mul3A_0] : memref<32768xi32, #tpu.memory_space<hbm>> -> memref<2048xi32, #tpu.memory_space<hbm>>
    %dma_start3A_1 = tpu.memref_slice %arg2[%mul3A_0] : memref<32768xi32, #tpu.memory_space<hbm>> -> memref<2048xi32, #tpu.memory_space<hbm>>
    tpu.enqueue_dma source(%dma_start3A_1 : memref<2048xi32, #tpu.memory_space<hbm>>) target(%arg8 : memref<2048xi32, #tpu.memory_space<vmem>>) target_semaphore(%arg16 : memref<!tpu.dma_semaphore, #tpu.memory_space<semaphore_mem>>)
    %dma_start3A_2 = tpu.memref_slice %arg3[%mul3A_0] : memref<32768xi32, #tpu.memory_space<hbm>> -> memref<2048xi32, #tpu.memory_space<hbm>>
    %dma_start3A_3 = tpu.memref_slice %arg3[%mul3A_0] : memref<32768xi32, #tpu.memory_space<hbm>> -> memref<2048xi32, #tpu.memory_space<hbm>>
    tpu.enqueue_dma source(%dma_start3A_3 : memref<2048xi32, #tpu.memory_space<hbm>>) target(%arg9 : memref<2048xi32, #tpu.memory_space<vmem>>) target_semaphore(%arg16 : memref<!tpu.dma_semaphore, #tpu.memory_space<semaphore_mem>>)
    tpu.enqueue_dma source(%arg4 : memref<400xf32, #tpu.memory_space<hbm>>) target(%arg10 : memref<400xf32, #tpu.memory_space<vmem>>) target_semaphore(%arg16 : memref<!tpu.dma_semaphore, #tpu.memory_space<semaphore_mem>>)
    %dma_start3A_4 = arith.constant 0 : i32
    %dma_start3A_5 = tpu.memref_slice %arg13[%dma_start3A_4] : memref<16xf32, #tpu.memory_space<vmem>> -> memref<8xf32, #tpu.memory_space<vmem>>
    %dma_start3A_6 = arith.constant 0 : i32
    %dma_start3A_7 = tpu.memref_slice %arg13[%dma_start3A_6] : memref<16xf32, #tpu.memory_space<vmem>> -> memref<8xf32, #tpu.memory_space<vmem>>
    tpu.enqueue_dma source(%arg5 : memref<8xf32, #tpu.memory_space<hbm>>) target(%dma_start3A_7 : memref<8xf32, #tpu.memory_space<vmem>>) target_semaphore(%arg16 : memref<!tpu.dma_semaphore, #tpu.memory_space<semaphore_mem>>)
    %dma_start3A_8 = arith.constant 8 : i32
    %dma_start3A_9 = tpu.memref_slice %arg13[%dma_start3A_8] : memref<16xf32, #tpu.memory_space<vmem>> -> memref<2xf32, #tpu.memory_space<vmem>>
    %dma_start3A_10 = arith.constant 8 : i32
    %dma_start3A_11 = tpu.memref_slice %arg13[%dma_start3A_10] : memref<16xf32, #tpu.memory_space<vmem>> -> memref<2xf32, #tpu.memory_space<vmem>>
    tpu.enqueue_dma source(%arg6 : memref<2xf32, #tpu.memory_space<hbm>>) target(%dma_start3A_11 : memref<2xf32, #tpu.memory_space<vmem>>) target_semaphore(%arg16 : memref<!tpu.dma_semaphore, #tpu.memory_space<semaphore_mem>>)
    %broadcast_in_dim3A = arith.constant 0.000000e+00 : f32
    %broadcast_in_dim3A_12 = vector.broadcast %broadcast_in_dim3A : f32 to vector<16xf32>
    %swap3A = arith.constant 0 : index
    %swap3A_13 = tpu.vector_load %arg11[%swap3A] {strides = array<i32>} : memref<2048xf32, #tpu.memory_space<vmem>>, vector<16xf32>,
    tpu.vector_store %arg11[%swap3A], %broadcast_in_dim3A_12 {strides = array<i32>} : memref<2048xf32, #tpu.memory_space<vmem>>, vector<16xf32>,
    %swap3A_14 = arith.constant 16 : index
    %swap3A_15 = tpu.vector_load %arg11[%swap3A_14] {strides = array<i32>} : memref<2048xf32, #tpu.memory_space<vmem>>, vector<16xf32>,
    tpu.vector_store %arg11[%swap3A_14], %broadcast_in_dim3A_12 {strides = array<i32>} : memref<2048xf32, #tpu.memory_space<vmem>>, vector<16xf32>,
    %swap3A_16 = arith.constant 32 : index
    %swap3A_17 = tpu.vector_load %arg11[%swap3A_16] {strides = array<i32>} : memref<2048xf32, #tpu.memory_space<vmem>>, vector<16xf32>,
    tpu.vector_store %arg11[%swap3A_16], %broadcast_in_dim3A_12 {strides = array<i32>} : memref<2048xf32, #tpu.memory_space<vmem>>, vector<16xf32>,
    %swap3A_18 = arith.constant 48 : index
    %swap3A_19 = tpu.vector_load %arg11[%swap3A_18] {strides = array<i32>} : memref<2048xf32, #tpu.memory_space<vmem>>, vector<16xf32>,
    tpu.vector_store %arg11[%swap3A_18], %broadcast_in_dim3A_12 {strides = array<i32>} : memref<2048xf32, #tpu.memory_space<vmem>>, vector<16xf32>,
    %swap3A_20 = arith.constant 64 : index
    %swap3A_21 = tpu.vector_load %arg11[%swap3A_20] {strides = array<i32>} : memref<2048xf32, #tpu.memory_space<vmem>>, vector<16xf32>,
    tpu.vector_store %arg11[%swap3A_20], %broadcast_in_dim3A_12 {strides = array<i32>} : memref<2048xf32, #tpu.memory_space<vmem>>, vector<16xf32>,
    %swap3A_22 = arith.constant 128 : index
    %swap3A_23 = tpu.vector_load %arg11[%swap3A_22] {strides = array<i32>} : memref<2048xf32, #tpu.memory_space<vmem>>, vector<16xf32>,
    tpu.vector_store %arg11[%swap3A_22], %broadcast_in_dim3A_12 {strides = array<i32>} : memref<2048xf32, #tpu.memory_space<vmem>>, vector<16xf32>,
    %swap3A_24 = arith.constant 144 : index
    %swap3A_25 = tpu.vector_load %arg11[%swap3A_24] {strides = array<i32>} : memref<2048xf32, #tpu.memory_space<vmem>>, vector<16xf32>,
    tpu.vector_store %arg11[%swap3A_24], %broadcast_in_dim3A_12 {strides = array<i32>} : memref<2048xf32, #tpu.memory_space<vmem>>, vector<16xf32>,
    %swap3A_26 = arith.constant 160 : index
    %swap3A_27 = tpu.vector_load %arg11[%swap3A_26] {strides = array<i32>} : memref<2048xf32, #tpu.memory_space<vmem>>, vector<16xf32>,
    tpu.vector_store %arg11[%swap3A_26], %broadcast_in_dim3A_12 {strides = array<i32>} : memref<2048xf32, #tpu.memory_space<vmem>>, vector<16xf32>,
    %swap3A_28 = arith.constant 176 : index
    %swap3A_29 = tpu.vector_load %arg11[%swap3A_28] {strides = array<i32>} : memref<2048xf32, #tpu.memory_space<vmem>>, vector<16xf32>,
    tpu.vector_store %arg11[%swap3A_28], %broadcast_in_dim3A_12 {strides = array<i32>} : memref<2048xf32, #tpu.memory_space<vmem>>, vector<16xf32>,
    %swap3A_30 = arith.constant 192 : index
    %swap3A_31 = tpu.vector_load %arg11[%swap3A_30] {strides = array<i32>} : memref<2048xf32, #tpu.memory_space<vmem>>, vector<16xf32>,
    tpu.vector_store %arg11[%swap3A_30], %broadcast_in_dim3A_12 {strides = array<i32>} : memref<2048xf32, #tpu.memory_space<vmem>>, vector<16xf32>,
    %swap3A_32 = arith.constant 256 : index
    %swap3A_33 = tpu.vector_load %arg11[%swap3A_32] {strides = array<i32>} : memref<2048xf32, #tpu.memory_space<vmem>>, vector<16xf32>,
    tpu.vector_store %arg11[%swap3A_32], %broadcast_in_dim3A_12 {strides = array<i32>} : memref<2048xf32, #tpu.memory_space<vmem>>, vector<16xf32>,
    %swap3A_34 = arith.constant 272 : index
    %swap3A_35 = tpu.vector_load %arg11[%swap3A_34] {strides = array<i32>} : memref<2048xf32, #tpu.memory_space<vmem>>, vector<16xf32>,
    tpu.vector_store %arg11[%swap3A_34], %broadcast_in_dim3A_12 {strides = array<i32>} : memref<2048xf32, #tpu.memory_space<vmem>>, vector<16xf32>,
    %swap3A_36 = arith.constant 288 : index
    %swap3A_37 = tpu.vector_load %arg11[%swap3A_36] {strides = array<i32>} : memref<2048xf32, #tpu.memory_space<vmem>>, vector<16xf32>,
    tpu.vector_store %arg11[%swap3A_36], %broadcast_in_dim3A_12 {strides = array<i32>} : memref<2048xf32, #tpu.memory_space<vmem>>, vector<16xf32>,
    %swap3A_38 = arith.constant 304 : index
    %swap3A_39 = tpu.vector_load %arg11[%swap3A_38] {strides = array<i32>} : memref<2048xf32, #tpu.memory_space<vmem>>, vector<16xf32>,
    tpu.vector_store %arg11[%swap3A_38], %broadcast_in_dim3A_12 {strides = array<i32>} : memref<2048xf32, #tpu.memory_space<vmem>>, vector<16xf32>,
    %swap3A_40 = arith.constant 320 : index
    %swap3A_41 = tpu.vector_load %arg11[%swap3A_40] {strides = array<i32>} : memref<2048xf32, #tpu.memory_space<vmem>>, vector<16xf32>,
    tpu.vector_store %arg11[%swap3A_40], %broadcast_in_dim3A_12 {strides = array<i32>} : memref<2048xf32, #tpu.memory_space<vmem>>, vector<16xf32>,
    %swap3A_42 = arith.constant 384 : index
    %swap3A_43 = tpu.vector_load %arg11[%swap3A_42] {strides = array<i32>} : memref<2048xf32, #tpu.memory_space<vmem>>, vector<16xf32>,
    tpu.vector_store %arg11[%swap3A_42], %broadcast_in_dim3A_12 {strides = array<i32>} : memref<2048xf32, #tpu.memory_space<vmem>>, vector<16xf32>,
    %swap3A_44 = arith.constant 400 : index
    %swap3A_45 = tpu.vector_load %arg11[%swap3A_44] {strides = array<i32>} : memref<2048xf32, #tpu.memory_space<vmem>>, vector<16xf32>,
    tpu.vector_store %arg11[%swap3A_44], %broadcast_in_dim3A_12 {strides = array<i32>} : memref<2048xf32, #tpu.memory_space<vmem>>, vector<16xf32>,
    %swap3A_46 = arith.constant 416 : index
    %swap3A_47 = tpu.vector_load %arg11[%swap3A_46] {strides = array<i32>} : memref<2048xf32, #tpu.memory_space<vmem>>, vector<16xf32>,
    tpu.vector_store %arg11[%swap3A_46], %broadcast_in_dim3A_12 {strides = array<i32>} : memref<2048xf32, #tpu.memory_space<vmem>>, vector<16xf32>,
    %swap3A_48 = arith.constant 432 : index
    %swap3A_49 = tpu.vector_load %arg11[%swap3A_48] {strides = array<i32>} : memref<2048xf32, #tpu.memory_space<vmem>>, vector<16xf32>,
    tpu.vector_store %arg11[%swap3A_48], %broadcast_in_dim3A_12 {strides = array<i32>} : memref<2048xf32, #tpu.memory_space<vmem>>, vector<16xf32>,
    %swap3A_50 = arith.constant 448 : index
    %swap3A_51 = tpu.vector_load %arg11[%swap3A_50] {strides = array<i32>} : memref<2048xf32, #tpu.memory_space<vmem>>, vector<16xf32>,
    tpu.vector_store %arg11[%swap3A_50], %broadcast_in_dim3A_12 {strides = array<i32>} : memref<2048xf32, #tpu.memory_space<vmem>>, vector<16xf32>,
    %swap3A_52 = arith.constant 512 : index
    %swap3A_53 = tpu.vector_load %arg11[%swap3A_52] {strides = array<i32>} : memref<2048xf32, #tpu.memory_space<vmem>>, vector<16xf32>,
    tpu.vector_store %arg11[%swap3A_52], %broadcast_in_dim3A_12 {strides = array<i32>} : memref<2048xf32, #tpu.memory_space<vmem>>, vector<16xf32>,
    %swap3A_54 = arith.constant 528 : index
    %swap3A_55 = tpu.vector_load %arg11[%swap3A_54] {strides = array<i32>} : memref<2048xf32, #tpu.memory_space<vmem>>, vector<16xf32>,
    tpu.vector_store %arg11[%swap3A_54], %broadcast_in_dim3A_12 {strides = array<i32>} : memref<2048xf32, #tpu.memory_space<vmem>>, vector<16xf32>,
    %swap3A_56 = arith.constant 544 : index
    %swap3A_57 = tpu.vector_load %arg11[%swap3A_56] {strides = array<i32>} : memref<2048xf32, #tpu.memory_space<vmem>>, vector<16xf32>,
    tpu.vector_store %arg11[%swap3A_56], %broadcast_in_dim3A_12 {strides = array<i32>} : memref<2048xf32, #tpu.memory_space<vmem>>, vector<16xf32>,
    %swap3A_58 = arith.constant 560 : index
    %swap3A_59 = tpu.vector_load %arg11[%swap3A_58] {strides = array<i32>} : memref<2048xf32, #tpu.memory_space<vmem>>, vector<16xf32>,
    tpu.vector_store %arg11[%swap3A_58], %broadcast_in_dim3A_12 {strides = array<i32>} : memref<2048xf32, #tpu.memory_space<vmem>>, vector<16xf32>,
    %swap3A_60 = arith.constant 576 : index
    %swap3A_61 = tpu.vector_load %arg11[%swap3A_60] {strides = array<i32>} : memref<2048xf32, #tpu.memory_space<vmem>>, vector<16xf32>,
    tpu.vector_store %arg11[%swap3A_60], %broadcast_in_dim3A_12 {strides = array<i32>} : memref<2048xf32, #tpu.memory_space<vmem>>, vector<16xf32>,
    %swap3A_62 = arith.constant 640 : index
    %swap3A_63 = tpu.vector_load %arg11[%swap3A_62] {strides = array<i32>} : memref<2048xf32, #tpu.memory_space<vmem>>, vector<16xf32>,
    tpu.vector_store %arg11[%swap3A_62], %broadcast_in_dim3A_12 {strides = array<i32>} : memref<2048xf32, #tpu.memory_space<vmem>>, vector<16xf32>,
    %swap3A_64 = arith.constant 656 : index
    %swap3A_65 = tpu.vector_load %arg11[%swap3A_64] {strides = array<i32>} : memref<2048xf32, #tpu.memory_space<vmem>>, vector<16xf32>,
    tpu.vector_store %arg11[%swap3A_64], %broadcast_in_dim3A_12 {strides = array<i32>} : memref<2048xf32, #tpu.memory_space<vmem>>, vector<16xf32>,
    %swap3A_66 = arith.constant 672 : index
    %swap3A_67 = tpu.vector_load %arg11[%swap3A_66] {strides = array<i32>} : memref<2048xf32, #tpu.memory_space<vmem>>, vector<16xf32>,
    tpu.vector_store %arg11[%swap3A_66], %broadcast_in_dim3A_12 {strides = array<i32>} : memref<2048xf32, #tpu.memory_space<vmem>>, vector<16xf32>,
    %swap3A_68 = arith.constant 688 : index
    %swap3A_69 = tpu.vector_load %arg11[%swap3A_68] {strides = array<i32>} : memref<2048xf32, #tpu.memory_space<vmem>>, vector<16xf32>,
    tpu.vector_store %arg11[%swap3A_68], %broadcast_in_dim3A_12 {strides = array<i32>} : memref<2048xf32, #tpu.memory_space<vmem>>, vector<16xf32>,
    %swap3A_70 = arith.constant 704 : index
    %swap3A_71 = tpu.vector_load %arg11[%swap3A_70] {strides = array<i32>} : memref<2048xf32, #tpu.memory_space<vmem>>, vector<16xf32>,
    tpu.vector_store %arg11[%swap3A_70], %broadcast_in_dim3A_12 {strides = array<i32>} : memref<2048xf32, #tpu.memory_space<vmem>>, vector<16xf32>,
    %swap3A_72 = arith.constant 768 : index
    %swap3A_73 = tpu.vector_load %arg11[%swap3A_72] {strides = array<i32>} : memref<2048xf32, #tpu.memory_space<vmem>>, vector<16xf32>,
    tpu.vector_store %arg11[%swap3A_72], %broadcast_in_dim3A_12 {strides = array<i32>} : memref<2048xf32, #tpu.memory_space<vmem>>, vector<16xf32>,
    %swap3A_74 = arith.constant 784 : index
    %swap3A_75 = tpu.vector_load %arg11[%swap3A_74] {strides = array<i32>} : memref<2048xf32, #tpu.memory_space<vmem>>, vector<16xf32>,
    tpu.vector_store %arg11[%swap3A_74], %broadcast_in_dim3A_12 {strides = array<i32>} : memref<2048xf32, #tpu.memory_space<vmem>>, vector<16xf32>,
    %swap3A_76 = arith.constant 800 : index
    %swap3A_77 = tpu.vector_load %arg11[%swap3A_76] {strides = array<i32>} : memref<2048xf32, #tpu.memory_space<vmem>>, vector<16xf32>,
    tpu.vector_store %arg11[%swap3A_76], %broadcast_in_dim3A_12 {strides = array<i32>} : memref<2048xf32, #tpu.memory_space<vmem>>, vector<16xf32>,
    %swap3A_78 = arith.constant 816 : index
    %swap3A_79 = tpu.vector_load %arg11[%swap3A_78] {strides = array<i32>} : memref<2048xf32, #tpu.memory_space<vmem>>, vector<16xf32>,
    tpu.vector_store %arg11[%swap3A_78], %broadcast_in_dim3A_12 {strides = array<i32>} : memref<2048xf32, #tpu.memory_space<vmem>>, vector<16xf32>,
    %swap3A_80 = arith.constant 832 : index
    %swap3A_81 = tpu.vector_load %arg11[%swap3A_80] {strides = array<i32>} : memref<2048xf32, #tpu.memory_space<vmem>>, vector<16xf32>,
    tpu.vector_store %arg11[%swap3A_80], %broadcast_in_dim3A_12 {strides = array<i32>} : memref<2048xf32, #tpu.memory_space<vmem>>, vector<16xf32>,
    %swap3A_82 = arith.constant 896 : index
    %swap3A_83 = tpu.vector_load %arg11[%swap3A_82] {strides = array<i32>} : memref<2048xf32, #tpu.memory_space<vmem>>, vector<16xf32>,
    tpu.vector_store %arg11[%swap3A_82], %broadcast_in_dim3A_12 {strides = array<i32>} : memref<2048xf32, #tpu.memory_space<vmem>>, vector<16xf32>,
    %swap3A_84 = arith.constant 912 : index
    %swap3A_85 = tpu.vector_load %arg11[%swap3A_84] {strides = array<i32>} : memref<2048xf32, #tpu.memory_space<vmem>>, vector<16xf32>,
    tpu.vector_store %arg11[%swap3A_84], %broadcast_in_dim3A_12 {strides = array<i32>} : memref<2048xf32, #tpu.memory_space<vmem>>, vector<16xf32>,
    %swap3A_86 = arith.constant 928 : index
    %swap3A_87 = tpu.vector_load %arg11[%swap3A_86] {strides = array<i32>} : memref<2048xf32, #tpu.memory_space<vmem>>, vector<16xf32>,
    tpu.vector_store %arg11[%swap3A_86], %broadcast_in_dim3A_12 {strides = array<i32>} : memref<2048xf32, #tpu.memory_space<vmem>>, vector<16xf32>,
    %swap3A_88 = arith.constant 944 : index
    %swap3A_89 = tpu.vector_load %arg11[%swap3A_88] {strides = array<i32>} : memref<2048xf32, #tpu.memory_space<vmem>>, vector<16xf32>,
    tpu.vector_store %arg11[%swap3A_88], %broadcast_in_dim3A_12 {strides = array<i32>} : memref<2048xf32, #tpu.memory_space<vmem>>, vector<16xf32>,
    %swap3A_90 = arith.constant 960 : index
    %swap3A_91 = tpu.vector_load %arg11[%swap3A_90] {strides = array<i32>} : memref<2048xf32, #tpu.memory_space<vmem>>, vector<16xf32>,
    tpu.vector_store %arg11[%swap3A_90], %broadcast_in_dim3A_12 {strides = array<i32>} : memref<2048xf32, #tpu.memory_space<vmem>>, vector<16xf32>,
    %swap3A_92 = arith.constant 1024 : index
    %swap3A_93 = tpu.vector_load %arg11[%swap3A_92] {strides = array<i32>} : memref<2048xf32, #tpu.memory_space<vmem>>, vector<16xf32>,
    tpu.vector_store %arg11[%swap3A_92], %broadcast_in_dim3A_12 {strides = array<i32>} : memref<2048xf32, #tpu.memory_space<vmem>>, vector<16xf32>,
    %swap3A_94 = arith.constant 1040 : index
    %swap3A_95 = tpu.vector_load %arg11[%swap3A_94] {strides = array<i32>} : memref<2048xf32, #tpu.memory_space<vmem>>, vector<16xf32>,
    tpu.vector_store %arg11[%swap3A_94], %broadcast_in_dim3A_12 {strides = array<i32>} : memref<2048xf32, #tpu.memory_space<vmem>>, vector<16xf32>,
    %swap3A_96 = arith.constant 1056 : index
    %swap3A_97 = tpu.vector_load %arg11[%swap3A_96] {strides = array<i32>} : memref<2048xf32, #tpu.memory_space<vmem>>, vector<16xf32>,
    tpu.vector_store %arg11[%swap3A_96], %broadcast_in_dim3A_12 {strides = array<i32>} : memref<2048xf32, #tpu.memory_space<vmem>>, vector<16xf32>,
    %swap3A_98 = arith.constant 1072 : index
    %swap3A_99 = tpu.vector_load %arg11[%swap3A_98] {strides = array<i32>} : memref<2048xf32, #tpu.memory_space<vmem>>, vector<16xf32>,
    tpu.vector_store %arg11[%swap3A_98], %broadcast_in_dim3A_12 {strides = array<i32>} : memref<2048xf32, #tpu.memory_space<vmem>>, vector<16xf32>,
    %swap3A_100 = arith.constant 1088 : index
    %swap3A_101 = tpu.vector_load %arg11[%swap3A_100] {strides = array<i32>} : memref<2048xf32, #tpu.memory_space<vmem>>, vector<16xf32>,
    tpu.vector_store %arg11[%swap3A_100], %broadcast_in_dim3A_12 {strides = array<i32>} : memref<2048xf32, #tpu.memory_space<vmem>>, vector<16xf32>,
    %swap3A_102 = arith.constant 1152 : index
    %swap3A_103 = tpu.vector_load %arg11[%swap3A_102] {strides = array<i32>} : memref<2048xf32, #tpu.memory_space<vmem>>, vector<16xf32>,
    tpu.vector_store %arg11[%swap3A_102], %broadcast_in_dim3A_12 {strides = array<i32>} : memref<2048xf32, #tpu.memory_space<vmem>>, vector<16xf32>,
    %swap3A_104 = arith.constant 1168 : index
    %swap3A_105 = tpu.vector_load %arg11[%swap3A_104] {strides = array<i32>} : memref<2048xf32, #tpu.memory_space<vmem>>, vector<16xf32>,
    tpu.vector_store %arg11[%swap3A_104], %broadcast_in_dim3A_12 {strides = array<i32>} : memref<2048xf32, #tpu.memory_space<vmem>>, vector<16xf32>,
    %swap3A_106 = arith.constant 1184 : index
    %swap3A_107 = tpu.vector_load %arg11[%swap3A_106] {strides = array<i32>} : memref<2048xf32, #tpu.memory_space<vmem>>, vector<16xf32>,
    tpu.vector_store %arg11[%swap3A_106], %broadcast_in_dim3A_12 {strides = array<i32>} : memref<2048xf32, #tpu.memory_space<vmem>>, vector<16xf32>,
    %swap3A_108 = arith.constant 1200 : index
    %swap3A_109 = tpu.vector_load %arg11[%swap3A_108] {strides = array<i32>} : memref<2048xf32, #tpu.memory_space<vmem>>, vector<16xf32>,
    tpu.vector_store %arg11[%swap3A_108], %broadcast_in_dim3A_12 {strides = array<i32>} : memref<2048xf32, #tpu.memory_space<vmem>>, vector<16xf32>,
    %swap3A_110 = arith.constant 1216 : index
    %swap3A_111 = tpu.vector_load %arg11[%swap3A_110] {strides = array<i32>} : memref<2048xf32, #tpu.memory_space<vmem>>, vector<16xf32>,
    tpu.vector_store %arg11[%swap3A_110], %broadcast_in_dim3A_12 {strides = array<i32>} : memref<2048xf32, #tpu.memory_space<vmem>>, vector<16xf32>,
    %swap3A_112 = arith.constant 1280 : index
    %swap3A_113 = tpu.vector_load %arg11[%swap3A_112] {strides = array<i32>} : memref<2048xf32, #tpu.memory_space<vmem>>, vector<16xf32>,
    tpu.vector_store %arg11[%swap3A_112], %broadcast_in_dim3A_12 {strides = array<i32>} : memref<2048xf32, #tpu.memory_space<vmem>>, vector<16xf32>,
    %swap3A_114 = arith.constant 1296 : index
    %swap3A_115 = tpu.vector_load %arg11[%swap3A_114] {strides = array<i32>} : memref<2048xf32, #tpu.memory_space<vmem>>, vector<16xf32>,
    tpu.vector_store %arg11[%swap3A_114], %broadcast_in_dim3A_12 {strides = array<i32>} : memref<2048xf32, #tpu.memory_space<vmem>>, vector<16xf32>,
    %swap3A_116 = arith.constant 1312 : index
    %swap3A_117 = tpu.vector_load %arg11[%swap3A_116] {strides = array<i32>} : memref<2048xf32, #tpu.memory_space<vmem>>, vector<16xf32>,
    tpu.vector_store %arg11[%swap3A_116], %broadcast_in_dim3A_12 {strides = array<i32>} : memref<2048xf32, #tpu.memory_space<vmem>>, vector<16xf32>,
    %swap3A_118 = arith.constant 1328 : index
    %swap3A_119 = tpu.vector_load %arg11[%swap3A_118] {strides = array<i32>} : memref<2048xf32, #tpu.memory_space<vmem>>, vector<16xf32>,
    tpu.vector_store %arg11[%swap3A_118], %broadcast_in_dim3A_12 {strides = array<i32>} : memref<2048xf32, #tpu.memory_space<vmem>>, vector<16xf32>,
    %swap3A_120 = arith.constant 1344 : index
    %swap3A_121 = tpu.vector_load %arg11[%swap3A_120] {strides = array<i32>} : memref<2048xf32, #tpu.memory_space<vmem>>, vector<16xf32>,
    tpu.vector_store %arg11[%swap3A_120], %broadcast_in_dim3A_12 {strides = array<i32>} : memref<2048xf32, #tpu.memory_space<vmem>>, vector<16xf32>,
    %swap3A_122 = arith.constant 1408 : index
    %swap3A_123 = tpu.vector_load %arg11[%swap3A_122] {strides = array<i32>} : memref<2048xf32, #tpu.memory_space<vmem>>, vector<16xf32>,
    tpu.vector_store %arg11[%swap3A_122], %broadcast_in_dim3A_12 {strides = array<i32>} : memref<2048xf32, #tpu.memory_space<vmem>>, vector<16xf32>,
    %swap3A_124 = arith.constant 1424 : index
    %swap3A_125 = tpu.vector_load %arg11[%swap3A_124] {strides = array<i32>} : memref<2048xf32, #tpu.memory_space<vmem>>, vector<16xf32>,
    tpu.vector_store %arg11[%swap3A_124], %broadcast_in_dim3A_12 {strides = array<i32>} : memref<2048xf32, #tpu.memory_space<vmem>>, vector<16xf32>,
    %swap3A_126 = arith.constant 1440 : index
    %swap3A_127 = tpu.vector_load %arg11[%swap3A_126] {strides = array<i32>} : memref<2048xf32, #tpu.memory_space<vmem>>, vector<16xf32>,
    tpu.vector_store %arg11[%swap3A_126], %broadcast_in_dim3A_12 {strides = array<i32>} : memref<2048xf32, #tpu.memory_space<vmem>>, vector<16xf32>,
    %swap3A_128 = arith.constant 1456 : index
    %swap3A_129 = tpu.vector_load %arg11[%swap3A_128] {strides = array<i32>} : memref<2048xf32, #tpu.memory_space<vmem>>, vector<16xf32>,
    tpu.vector_store %arg11[%swap3A_128], %broadcast_in_dim3A_12 {strides = array<i32>} : memref<2048xf32, #tpu.memory_space<vmem>>, vector<16xf32>,
    %swap3A_130 = arith.constant 1472 : index
    %swap3A_131 = tpu.vector_load %arg11[%swap3A_130] {strides = array<i32>} : memref<2048xf32, #tpu.memory_space<vmem>>, vector<16xf32>,
    tpu.vector_store %arg11[%swap3A_130], %broadcast_in_dim3A_12 {strides = array<i32>} : memref<2048xf32, #tpu.memory_space<vmem>>, vector<16xf32>,
    %swap3A_132 = arith.constant 1536 : index
    %swap3A_133 = tpu.vector_load %arg11[%swap3A_132] {strides = array<i32>} : memref<2048xf32, #tpu.memory_space<vmem>>, vector<16xf32>,
    tpu.vector_store %arg11[%swap3A_132], %broadcast_in_dim3A_12 {strides = array<i32>} : memref<2048xf32, #tpu.memory_space<vmem>>, vector<16xf32>,
    %swap3A_134 = arith.constant 1552 : index
    %swap3A_135 = tpu.vector_load %arg11[%swap3A_134] {strides = array<i32>} : memref<2048xf32, #tpu.memory_space<vmem>>, vector<16xf32>,
    tpu.vector_store %arg11[%swap3A_134], %broadcast_in_dim3A_12 {strides = array<i32>} : memref<2048xf32, #tpu.memory_space<vmem>>, vector<16xf32>,
    %swap3A_136 = arith.constant 1568 : index
    %swap3A_137 = tpu.vector_load %arg11[%swap3A_136] {strides = array<i32>} : memref<2048xf32, #tpu.memory_space<vmem>>, vector<16xf32>,
    tpu.vector_store %arg11[%swap3A_136], %broadcast_in_dim3A_12 {strides = array<i32>} : memref<2048xf32, #tpu.memory_space<vmem>>, vector<16xf32>,
    %swap3A_138 = arith.constant 1584 : index
    %swap3A_139 = tpu.vector_load %arg11[%swap3A_138] {strides = array<i32>} : memref<2048xf32, #tpu.memory_space<vmem>>, vector<16xf32>,
    tpu.vector_store %arg11[%swap3A_138], %broadcast_in_dim3A_12 {strides = array<i32>} : memref<2048xf32, #tpu.memory_space<vmem>>, vector<16xf32>,
    %swap3A_140 = arith.constant 1600 : index
    %swap3A_141 = tpu.vector_load %arg11[%swap3A_140] {strides = array<i32>} : memref<2048xf32, #tpu.memory_space<vmem>>, vector<16xf32>,
    tpu.vector_store %arg11[%swap3A_140], %broadcast_in_dim3A_12 {strides = array<i32>} : memref<2048xf32, #tpu.memory_space<vmem>>, vector<16xf32>,
    %swap3A_142 = arith.constant 1664 : index
    %swap3A_143 = tpu.vector_load %arg11[%swap3A_142] {strides = array<i32>} : memref<2048xf32, #tpu.memory_space<vmem>>, vector<16xf32>,
    tpu.vector_store %arg11[%swap3A_142], %broadcast_in_dim3A_12 {strides = array<i32>} : memref<2048xf32, #tpu.memory_space<vmem>>, vector<16xf32>,
    %swap3A_144 = arith.constant 1680 : index
    %swap3A_145 = tpu.vector_load %arg11[%swap3A_144] {strides = array<i32>} : memref<2048xf32, #tpu.memory_space<vmem>>, vector<16xf32>,
    tpu.vector_store %arg11[%swap3A_144], %broadcast_in_dim3A_12 {strides = array<i32>} : memref<2048xf32, #tpu.memory_space<vmem>>, vector<16xf32>,
    %swap3A_146 = arith.constant 1696 : index
    %swap3A_147 = tpu.vector_load %arg11[%swap3A_146] {strides = array<i32>} : memref<2048xf32, #tpu.memory_space<vmem>>, vector<16xf32>,
    tpu.vector_store %arg11[%swap3A_146], %broadcast_in_dim3A_12 {strides = array<i32>} : memref<2048xf32, #tpu.memory_space<vmem>>, vector<16xf32>,
    %swap3A_148 = arith.constant 1712 : index
    %swap3A_149 = tpu.vector_load %arg11[%swap3A_148] {strides = array<i32>} : memref<2048xf32, #tpu.memory_space<vmem>>, vector<16xf32>,
    tpu.vector_store %arg11[%swap3A_148], %broadcast_in_dim3A_12 {strides = array<i32>} : memref<2048xf32, #tpu.memory_space<vmem>>, vector<16xf32>,
    %swap3A_150 = arith.constant 1728 : index
    %swap3A_151 = tpu.vector_load %arg11[%swap3A_150] {strides = array<i32>} : memref<2048xf32, #tpu.memory_space<vmem>>, vector<16xf32>,
    tpu.vector_store %arg11[%swap3A_150], %broadcast_in_dim3A_12 {strides = array<i32>} : memref<2048xf32, #tpu.memory_space<vmem>>, vector<16xf32>,
    %swap3A_152 = arith.constant 1792 : index
    %swap3A_153 = tpu.vector_load %arg11[%swap3A_152] {strides = array<i32>} : memref<2048xf32, #tpu.memory_space<vmem>>, vector<16xf32>,
    tpu.vector_store %arg11[%swap3A_152], %broadcast_in_dim3A_12 {strides = array<i32>} : memref<2048xf32, #tpu.memory_space<vmem>>, vector<16xf32>,
    %swap3A_154 = arith.constant 1808 : index
    %swap3A_155 = tpu.vector_load %arg11[%swap3A_154] {strides = array<i32>} : memref<2048xf32, #tpu.memory_space<vmem>>, vector<16xf32>,
    tpu.vector_store %arg11[%swap3A_154], %broadcast_in_dim3A_12 {strides = array<i32>} : memref<2048xf32, #tpu.memory_space<vmem>>, vector<16xf32>,
    %swap3A_156 = arith.constant 1824 : index
    %swap3A_157 = tpu.vector_load %arg11[%swap3A_156] {strides = array<i32>} : memref<2048xf32, #tpu.memory_space<vmem>>, vector<16xf32>,
    tpu.vector_store %arg11[%swap3A_156], %broadcast_in_dim3A_12 {strides = array<i32>} : memref<2048xf32, #tpu.memory_space<vmem>>, vector<16xf32>,
    %swap3A_158 = arith.constant 1840 : index
    %swap3A_159 = tpu.vector_load %arg11[%swap3A_158] {strides = array<i32>} : memref<2048xf32, #tpu.memory_space<vmem>>, vector<16xf32>,
    tpu.vector_store %arg11[%swap3A_158], %broadcast_in_dim3A_12 {strides = array<i32>} : memref<2048xf32, #tpu.memory_space<vmem>>, vector<16xf32>,
    %swap3A_160 = arith.constant 1856 : index
    %swap3A_161 = tpu.vector_load %arg11[%swap3A_160] {strides = array<i32>} : memref<2048xf32, #tpu.memory_space<vmem>>, vector<16xf32>,
    tpu.vector_store %arg11[%swap3A_160], %broadcast_in_dim3A_12 {strides = array<i32>} : memref<2048xf32, #tpu.memory_space<vmem>>, vector<16xf32>,
    %swap3A_162 = arith.constant 1920 : index
    %swap3A_163 = tpu.vector_load %arg11[%swap3A_162] {strides = array<i32>} : memref<2048xf32, #tpu.memory_space<vmem>>, vector<16xf32>,
    tpu.vector_store %arg11[%swap3A_162], %broadcast_in_dim3A_12 {strides = array<i32>} : memref<2048xf32, #tpu.memory_space<vmem>>, vector<16xf32>,
    %swap3A_164 = arith.constant 1936 : index
    %swap3A_165 = tpu.vector_load %arg11[%swap3A_164] {strides = array<i32>} : memref<2048xf32, #tpu.memory_space<vmem>>, vector<16xf32>,
    tpu.vector_store %arg11[%swap3A_164], %broadcast_in_dim3A_12 {strides = array<i32>} : memref<2048xf32, #tpu.memory_space<vmem>>, vector<16xf32>,
    %swap3A_166 = arith.constant 1952 : index
    %swap3A_167 = tpu.vector_load %arg11[%swap3A_166] {strides = array<i32>} : memref<2048xf32, #tpu.memory_space<vmem>>, vector<16xf32>,
    tpu.vector_store %arg11[%swap3A_166], %broadcast_in_dim3A_12 {strides = array<i32>} : memref<2048xf32, #tpu.memory_space<vmem>>, vector<16xf32>,
    %swap3A_168 = arith.constant 1968 : index
    %swap3A_169 = tpu.vector_load %arg11[%swap3A_168] {strides = array<i32>} : memref<2048xf32, #tpu.memory_space<vmem>>, vector<16xf32>,
    tpu.vector_store %arg11[%swap3A_168], %broadcast_in_dim3A_12 {strides = array<i32>} : memref<2048xf32, #tpu.memory_space<vmem>>, vector<16xf32>,
    %swap3A_170 = arith.constant 1984 : index
    %swap3A_171 = tpu.vector_load %arg11[%swap3A_170] {strides = array<i32>} : memref<2048xf32, #tpu.memory_space<vmem>>, vector<16xf32>,
    tpu.vector_store %arg11[%swap3A_170], %broadcast_in_dim3A_12 {strides = array<i32>} : memref<2048xf32, #tpu.memory_space<vmem>>, vector<16xf32>,
    %dma_wait3A = tpu.memref_slice %arg2[%mul3A_0] : memref<32768xi32, #tpu.memory_space<hbm>> -> memref<2048xi32, #tpu.memory_space<hbm>>
    %dma_wait3A_172 = tpu.memref_slice %arg2[%mul3A_0] : memref<32768xi32, #tpu.memory_space<hbm>> -> memref<2048xi32, #tpu.memory_space<hbm>>
    tpu.wait_dma2 semaphore(%arg16 : memref<!tpu.dma_semaphore, #tpu.memory_space<semaphore_mem>>) src(%dma_wait3A_172 : memref<2048xi32, #tpu.memory_space<hbm>>) dst(%arg8 : memref<2048xi32, #tpu.memory_space<vmem>>)
    %dma_wait3A_173 = tpu.memref_slice %arg3[%mul3A_0] : memref<32768xi32, #tpu.memory_space<hbm>> -> memref<2048xi32, #tpu.memory_space<hbm>>
    %dma_wait3A_174 = tpu.memref_slice %arg3[%mul3A_0] : memref<32768xi32, #tpu.memory_space<hbm>> -> memref<2048xi32, #tpu.memory_space<hbm>>
    tpu.wait_dma2 semaphore(%arg16 : memref<!tpu.dma_semaphore, #tpu.memory_space<semaphore_mem>>) src(%dma_wait3A_174 : memref<2048xi32, #tpu.memory_space<hbm>>) dst(%arg9 : memref<2048xi32, #tpu.memory_space<vmem>>)
    tpu.wait_dma2 semaphore(%arg16 : memref<!tpu.dma_semaphore, #tpu.memory_space<semaphore_mem>>) src(%arg4 : memref<400xf32, #tpu.memory_space<hbm>>) dst(%arg10 : memref<400xf32, #tpu.memory_space<vmem>>)
    %dma_wait3A_175 = arith.constant 0 : i32
    %dma_wait3A_176 = tpu.memref_slice %arg13[%dma_wait3A_175] : memref<16xf32, #tpu.memory_space<vmem>> -> memref<8xf32, #tpu.memory_space<vmem>>
    %dma_wait3A_177 = arith.constant 0 : i32
    %dma_wait3A_178 = tpu.memref_slice %arg13[%dma_wait3A_177] : memref<16xf32, #tpu.memory_space<vmem>> -> memref<8xf32, #tpu.memory_space<vmem>>
    tpu.wait_dma2 semaphore(%arg16 : memref<!tpu.dma_semaphore, #tpu.memory_space<semaphore_mem>>) src(%arg5 : memref<8xf32, #tpu.memory_space<hbm>>) dst(%dma_wait3A_178 : memref<8xf32, #tpu.memory_space<vmem>>)
    %dma_wait3A_179 = arith.constant 8 : i32
    %dma_wait3A_180 = tpu.memref_slice %arg13[%dma_wait3A_179] : memref<16xf32, #tpu.memory_space<vmem>> -> memref<2xf32, #tpu.memory_space<vmem>>
    %dma_wait3A_181 = arith.constant 8 : i32
    %dma_wait3A_182 = tpu.memref_slice %arg13[%dma_wait3A_181] : memref<16xf32, #tpu.memory_space<vmem>> -> memref<2xf32, #tpu.memory_space<vmem>>
    tpu.wait_dma2 semaphore(%arg16 : memref<!tpu.dma_semaphore, #tpu.memory_space<semaphore_mem>>) src(%arg6 : memref<2xf32, #tpu.memory_space<hbm>>) dst(%dma_wait3A_182 : memref<2xf32, #tpu.memory_space<vmem>>)
    %broadcast_in_dim3A_183 = arith.constant 1.000000e+00 : f32
    %broadcast_in_dim3A_184 = vector.broadcast %broadcast_in_dim3A_183 : f32 to vector<16xf32>
    %scan3A = arith.constant 0 : i32
    %scan3A_185 = arith.constant 0 : i32
    %scan3A_186 = arith.constant 32 : i32
    %scan3A_187 = arith.addi %scan3A_185, %scan3A_186 : i32
    %scan3A_188 = arith.constant 1 : i32
    scf.for %scan3A_674 = %scan3A_185 to %scan3A_187 step %scan3A_188  : i32 {
      %mul3A_675 = arith.constant 64 : i32
      %mul3A_676 = arith.muli %scan3A_674, %mul3A_675 : i32
      %add3A_677 = arith.constant 0 : i32
      %add3A_678 = arith.addi %mul3A_676, %add3A_677 : i32
      %get3A_679 = arith.index_cast %add3A_678 : i32 to index
      %get3A_680 = tpu.vector_load %arg8[%get3A_679] {strides = array<i32>} : memref<2048xi32, #tpu.memory_space<vmem>>, vector<16xi32>,
      %add3A_681 = arith.constant 0 : i32
      %add3A_682 = arith.addi %mul3A_676, %add3A_681 : i32
      %get3A_683 = arith.index_cast %add3A_682 : i32 to index
      %get3A_684 = tpu.vector_load %arg9[%get3A_683] {strides = array<i32>} : memref<2048xi32, #tpu.memory_space<vmem>>, vector<16xi32>,
      %mul3A_685 = arith.constant 128 : i32
      %mul3A_686 = vector.broadcast %mul3A_685 : i32 to vector<16xi32>
      %mul3A_687 = arith.muli %get3A_684, %mul3A_686 : vector<16xi32>
      %add3A_688 = arith.addi %mul3A_687, %iota3A : vector<16xi32>
      %mul3A_689 = arith.constant 4 : i32
      %mul3A_690 = vector.broadcast %mul3A_689 : i32 to vector<16xi32>
      %mul3A_691 = arith.muli %get3A_680, %mul3A_690 : vector<16xi32>
      %add3A_692 = arith.constant 0 : i32
      %add3A_693 = vector.broadcast %add3A_692 : i32 to vector<16xi32>
      %add3A_694 = arith.addi %mul3A_691, %add3A_693 : vector<16xi32>
      %gather3A = tpu.vector_load_idx %arg10[%add3A_694] : memref<400xf32, #tpu.memory_space<vmem>>[vector<16xi32>], vector<16xf32>,
      %add3A_695 = arith.constant 1 : i32
      %add3A_696 = vector.broadcast %add3A_695 : i32 to vector<16xi32>
      %add3A_697 = arith.addi %mul3A_691, %add3A_696 : vector<16xi32>
      %gather3A_698 = tpu.vector_load_idx %arg10[%add3A_697] : memref<400xf32, #tpu.memory_space<vmem>>[vector<16xi32>], vector<16xf32>,
      %add3A_699 = arith.constant 2 : i32
      %add3A_700 = vector.broadcast %add3A_699 : i32 to vector<16xi32>
      %add3A_701 = arith.addi %mul3A_691, %add3A_700 : vector<16xi32>
      %gather3A_702 = tpu.vector_load_idx %arg10[%add3A_701] : memref<400xf32, #tpu.memory_space<vmem>>[vector<16xi32>], vector<16xf32>,
      %add3A_703 = arith.constant 3 : i32
      %add3A_704 = vector.broadcast %add3A_703 : i32 to vector<16xi32>
      %add3A_705 = arith.addi %mul3A_691, %add3A_704 : vector<16xi32>
      %gather3A_706 = tpu.vector_load_idx %arg10[%add3A_705] : memref<400xf32, #tpu.memory_space<vmem>>[vector<16xi32>], vector<16xf32>,
      %add3A_707 = arith.constant 16 : i32
      %add3A_708 = arith.addi %mul3A_676, %add3A_707 : i32
      %get3A_709 = arith.index_cast %add3A_708 : i32 to index
      %get3A_710 = tpu.vector_load %arg8[%get3A_709] {strides = array<i32>} : memref<2048xi32, #tpu.memory_space<vmem>>, vector<16xi32>,
      %add3A_711 = arith.constant 16 : i32
      %add3A_712 = arith.addi %mul3A_676, %add3A_711 : i32
      %get3A_713 = arith.index_cast %add3A_712 : i32 to index
      %get3A_714 = tpu.vector_load %arg9[%get3A_713] {strides = array<i32>} : memref<2048xi32, #tpu.memory_space<vmem>>, vector<16xi32>,
      %mul3A_715 = arith.constant 128 : i32
      %mul3A_716 = vector.broadcast %mul3A_715 : i32 to vector<16xi32>
      %mul3A_717 = arith.muli %get3A_714, %mul3A_716 : vector<16xi32>
      %add3A_718 = arith.addi %mul3A_717, %iota3A : vector<16xi32>
      %mul3A_719 = arith.constant 4 : i32
      %mul3A_720 = vector.broadcast %mul3A_719 : i32 to vector<16xi32>
      %mul3A_721 = arith.muli %get3A_710, %mul3A_720 : vector<16xi32>
      %add3A_722 = arith.constant 0 : i32
      %add3A_723 = vector.broadcast %add3A_722 : i32 to vector<16xi32>
      %add3A_724 = arith.addi %mul3A_721, %add3A_723 : vector<16xi32>
      %gather3A_725 = tpu.vector_load_idx %arg10[%add3A_724] : memref<400xf32, #tpu.memory_space<vmem>>[vector<16xi32>], vector<16xf32>,
      %add3A_726 = arith.constant 1 : i32
      %add3A_727 = vector.broadcast %add3A_726 : i32 to vector<16xi32>
      %add3A_728 = arith.addi %mul3A_721, %add3A_727 : vector<16xi32>
      %gather3A_729 = tpu.vector_load_idx %arg10[%add3A_728] : memref<400xf32, #tpu.memory_space<vmem>>[vector<16xi32>], vector<16xf32>,
      %add3A_730 = arith.constant 2 : i32
      %add3A_731 = vector.broadcast %add3A_730 : i32 to vector<16xi32>
      %add3A_732 = arith.addi %mul3A_721, %add3A_731 : vector<16xi32>
      %gather3A_733 = tpu.vector_load_idx %arg10[%add3A_732] : memref<400xf32, #tpu.memory_space<vmem>>[vector<16xi32>], vector<16xf32>,
      %add3A_734 = arith.constant 3 : i32
      %add3A_735 = vector.broadcast %add3A_734 : i32 to vector<16xi32>
      %add3A_736 = arith.addi %mul3A_721, %add3A_735 : vector<16xi32>
      %gather3A_737 = tpu.vector_load_idx %arg10[%add3A_736] : memref<400xf32, #tpu.memory_space<vmem>>[vector<16xi32>], vector<16xf32>,
      %add3A_738 = arith.constant 32 : i32
      %add3A_739 = arith.addi %mul3A_676, %add3A_738 : i32
      %get3A_740 = arith.index_cast %add3A_739 : i32 to index
      %get3A_741 = tpu.vector_load %arg8[%get3A_740] {strides = array<i32>} : memref<2048xi32, #tpu.memory_space<vmem>>, vector<16xi32>,
      %add3A_742 = arith.constant 32 : i32
      %add3A_743 = arith.addi %mul3A_676, %add3A_742 : i32
      %get3A_744 = arith.index_cast %add3A_743 : i32 to index
      %get3A_745 = tpu.vector_load %arg9[%get3A_744] {strides = array<i32>} : memref<2048xi32, #tpu.memory_space<vmem>>, vector<16xi32>,
      %mul3A_746 = arith.constant 128 : i32
      %mul3A_747 = vector.broadcast %mul3A_746 : i32 to vector<16xi32>
      %mul3A_748 = arith.muli %get3A_745, %mul3A_747 : vector<16xi32>
      %add3A_749 = arith.addi %mul3A_748, %iota3A : vector<16xi32>
      %mul3A_750 = arith.constant 4 : i32
      %mul3A_751 = vector.broadcast %mul3A_750 : i32 to vector<16xi32>
      %mul3A_752 = arith.muli %get3A_741, %mul3A_751 : vector<16xi32>
      %add3A_753 = arith.constant 0 : i32
      %add3A_754 = vector.broadcast %add3A_753 : i32 to vector<16xi32>
      %add3A_755 = arith.addi %mul3A_752, %add3A_754 : vector<16xi32>
      %gather3A_756 = tpu.vector_load_idx %arg10[%add3A_755] : memref<400xf32, #tpu.memory_space<vmem>>[vector<16xi32>], vector<16xf32>,
      %add3A_757 = arith.constant 1 : i32
      %add3A_758 = vector.broadcast %add3A_757 : i32 to vector<16xi32>
      %add3A_759 = arith.addi %mul3A_752, %add3A_758 : vector<16xi32>
      %gather3A_760 = tpu.vector_load_idx %arg10[%add3A_759] : memref<400xf32, #tpu.memory_space<vmem>>[vector<16xi32>], vector<16xf32>,
      %add3A_761 = arith.constant 2 : i32
      %add3A_762 = vector.broadcast %add3A_761 : i32 to vector<16xi32>
      %add3A_763 = arith.addi %mul3A_752, %add3A_762 : vector<16xi32>
      %gather3A_764 = tpu.vector_load_idx %arg10[%add3A_763] : memref<400xf32, #tpu.memory_space<vmem>>[vector<16xi32>], vector<16xf32>,
      %add3A_765 = arith.constant 3 : i32
      %add3A_766 = vector.broadcast %add3A_765 : i32 to vector<16xi32>
      %add3A_767 = arith.addi %mul3A_752, %add3A_766 : vector<16xi32>
      %gather3A_768 = tpu.vector_load_idx %arg10[%add3A_767] : memref<400xf32, #tpu.memory_space<vmem>>[vector<16xi32>], vector<16xf32>,
      %add3A_769 = arith.constant 48 : i32
      %add3A_770 = arith.addi %mul3A_676, %add3A_769 : i32
      %get3A_771 = arith.index_cast %add3A_770 : i32 to index
      %get3A_772 = tpu.vector_load %arg8[%get3A_771] {strides = array<i32>} : memref<2048xi32, #tpu.memory_space<vmem>>, vector<16xi32>,
      %add3A_773 = arith.constant 48 : i32
      %add3A_774 = arith.addi %mul3A_676, %add3A_773 : i32
      %get3A_775 = arith.index_cast %add3A_774 : i32 to index
      %get3A_776 = tpu.vector_load %arg9[%get3A_775] {strides = array<i32>} : memref<2048xi32, #tpu.memory_space<vmem>>, vector<16xi32>,
      %mul3A_777 = arith.constant 128 : i32
      %mul3A_778 = vector.broadcast %mul3A_777 : i32 to vector<16xi32>
      %mul3A_779 = arith.muli %get3A_776, %mul3A_778 : vector<16xi32>
      %add3A_780 = arith.addi %mul3A_779, %iota3A : vector<16xi32>
      %mul3A_781 = arith.constant 4 : i32
      %mul3A_782 = vector.broadcast %mul3A_781 : i32 to vector<16xi32>
      %mul3A_783 = arith.muli %get3A_772, %mul3A_782 : vector<16xi32>
      %add3A_784 = arith.constant 0 : i32
      %add3A_785 = vector.broadcast %add3A_784 : i32 to vector<16xi32>
      %add3A_786 = arith.addi %mul3A_783, %add3A_785 : vector<16xi32>
      %gather3A_787 = tpu.vector_load_idx %arg10[%add3A_786] : memref<400xf32, #tpu.memory_space<vmem>>[vector<16xi32>], vector<16xf32>,
      %add3A_788 = arith.constant 1 : i32
      %add3A_789 = vector.broadcast %add3A_788 : i32 to vector<16xi32>
      %add3A_790 = arith.addi %mul3A_783, %add3A_789 : vector<16xi32>
      %gather3A_791 = tpu.vector_load_idx %arg10[%add3A_790] : memref<400xf32, #tpu.memory_space<vmem>>[vector<16xi32>], vector<16xf32>,
      %add3A_792 = arith.constant 2 : i32
      %add3A_793 = vector.broadcast %add3A_792 : i32 to vector<16xi32>
      %add3A_794 = arith.addi %mul3A_783, %add3A_793 : vector<16xi32>
      %gather3A_795 = tpu.vector_load_idx %arg10[%add3A_794] : memref<400xf32, #tpu.memory_space<vmem>>[vector<16xi32>], vector<16xf32>,
      %add3A_796 = arith.constant 3 : i32
      %add3A_797 = vector.broadcast %add3A_796 : i32 to vector<16xi32>
      %add3A_798 = arith.addi %mul3A_783, %add3A_797 : vector<16xi32>
      %gather3A_799 = tpu.vector_load_idx %arg10[%add3A_798] : memref<400xf32, #tpu.memory_space<vmem>>[vector<16xi32>], vector<16xf32>,
      %add3A_800 = arith.constant 0 : i32
      %add3A_801 = vector.broadcast %add3A_800 : i32 to vector<16xi32>
      %add3A_802 = arith.addi %add3A_688, %add3A_801 : vector<16xi32>
      tpu.vector_store_idx %arg11[%add3A_802], %gather3A {add = true} : memref<2048xf32, #tpu.memory_space<vmem>>[vector<16xi32>], vector<16xf32>,
      %add3A_803 = arith.constant 16 : i32
      %add3A_804 = vector.broadcast %add3A_803 : i32 to vector<16xi32>
      %add3A_805 = arith.addi %add3A_688, %add3A_804 : vector<16xi32>
      tpu.vector_store_idx %arg11[%add3A_805], %gather3A_698 {add = true} : memref<2048xf32, #tpu.memory_space<vmem>>[vector<16xi32>], vector<16xf32>,
      %add3A_806 = arith.constant 32 : i32
      %add3A_807 = vector.broadcast %add3A_806 : i32 to vector<16xi32>
      %add3A_808 = arith.addi %add3A_688, %add3A_807 : vector<16xi32>
      tpu.vector_store_idx %arg11[%add3A_808], %gather3A_702 {add = true} : memref<2048xf32, #tpu.memory_space<vmem>>[vector<16xi32>], vector<16xf32>,
      %add3A_809 = arith.constant 48 : i32
      %add3A_810 = vector.broadcast %add3A_809 : i32 to vector<16xi32>
      %add3A_811 = arith.addi %add3A_688, %add3A_810 : vector<16xi32>
      tpu.vector_store_idx %arg11[%add3A_811], %gather3A_706 {add = true} : memref<2048xf32, #tpu.memory_space<vmem>>[vector<16xi32>], vector<16xf32>,
      %add3A_812 = arith.constant 64 : i32
      %add3A_813 = vector.broadcast %add3A_812 : i32 to vector<16xi32>
      %add3A_814 = arith.addi %add3A_688, %add3A_813 : vector<16xi32>
      tpu.vector_store_idx %arg11[%add3A_814], %broadcast_in_dim3A_184 {add = true} : memref<2048xf32, #tpu.memory_space<vmem>>[vector<16xi32>], vector<16xf32>,
      %add3A_815 = arith.constant 0 : i32
      %add3A_816 = vector.broadcast %add3A_815 : i32 to vector<16xi32>
      %add3A_817 = arith.addi %add3A_718, %add3A_816 : vector<16xi32>
      tpu.vector_store_idx %arg11[%add3A_817], %gather3A_725 {add = true} : memref<2048xf32, #tpu.memory_space<vmem>>[vector<16xi32>], vector<16xf32>,
      %add3A_818 = arith.constant 16 : i32
      %add3A_819 = vector.broadcast %add3A_818 : i32 to vector<16xi32>
      %add3A_820 = arith.addi %add3A_718, %add3A_819 : vector<16xi32>
      tpu.vector_store_idx %arg11[%add3A_820], %gather3A_729 {add = true} : memref<2048xf32, #tpu.memory_space<vmem>>[vector<16xi32>], vector<16xf32>,
      %add3A_821 = arith.constant 32 : i32
      %add3A_822 = vector.broadcast %add3A_821 : i32 to vector<16xi32>
      %add3A_823 = arith.addi %add3A_718, %add3A_822 : vector<16xi32>
      tpu.vector_store_idx %arg11[%add3A_823], %gather3A_733 {add = true} : memref<2048xf32, #tpu.memory_space<vmem>>[vector<16xi32>], vector<16xf32>,
      %add3A_824 = arith.constant 48 : i32
      %add3A_825 = vector.broadcast %add3A_824 : i32 to vector<16xi32>
      %add3A_826 = arith.addi %add3A_718, %add3A_825 : vector<16xi32>
      tpu.vector_store_idx %arg11[%add3A_826], %gather3A_737 {add = true} : memref<2048xf32, #tpu.memory_space<vmem>>[vector<16xi32>], vector<16xf32>,
      %add3A_827 = arith.constant 64 : i32
      %add3A_828 = vector.broadcast %add3A_827 : i32 to vector<16xi32>
      %add3A_829 = arith.addi %add3A_718, %add3A_828 : vector<16xi32>
      tpu.vector_store_idx %arg11[%add3A_829], %broadcast_in_dim3A_184 {add = true} : memref<2048xf32, #tpu.memory_space<vmem>>[vector<16xi32>], vector<16xf32>,
      %add3A_830 = arith.constant 0 : i32
      %add3A_831 = vector.broadcast %add3A_830 : i32 to vector<16xi32>
      %add3A_832 = arith.addi %add3A_749, %add3A_831 : vector<16xi32>
      tpu.vector_store_idx %arg11[%add3A_832], %gather3A_756 {add = true} : memref<2048xf32, #tpu.memory_space<vmem>>[vector<16xi32>], vector<16xf32>,
      %add3A_833 = arith.constant 16 : i32
      %add3A_834 = vector.broadcast %add3A_833 : i32 to vector<16xi32>
      %add3A_835 = arith.addi %add3A_749, %add3A_834 : vector<16xi32>
      tpu.vector_store_idx %arg11[%add3A_835], %gather3A_760 {add = true} : memref<2048xf32, #tpu.memory_space<vmem>>[vector<16xi32>], vector<16xf32>,
      %add3A_836 = arith.constant 32 : i32
      %add3A_837 = vector.broadcast %add3A_836 : i32 to vector<16xi32>
      %add3A_838 = arith.addi %add3A_749, %add3A_837 : vector<16xi32>
      tpu.vector_store_idx %arg11[%add3A_838], %gather3A_764 {add = true} : memref<2048xf32, #tpu.memory_space<vmem>>[vector<16xi32>], vector<16xf32>,
      %add3A_839 = arith.constant 48 : i32
      %add3A_840 = vector.broadcast %add3A_839 : i32 to vector<16xi32>
      %add3A_841 = arith.addi %add3A_749, %add3A_840 : vector<16xi32>
      tpu.vector_store_idx %arg11[%add3A_841], %gather3A_768 {add = true} : memref<2048xf32, #tpu.memory_space<vmem>>[vector<16xi32>], vector<16xf32>,
      %add3A_842 = arith.constant 64 : i32
      %add3A_843 = vector.broadcast %add3A_842 : i32 to vector<16xi32>
      %add3A_844 = arith.addi %add3A_749, %add3A_843 : vector<16xi32>
      tpu.vector_store_idx %arg11[%add3A_844], %broadcast_in_dim3A_184 {add = true} : memref<2048xf32, #tpu.memory_space<vmem>>[vector<16xi32>], vector<16xf32>,
      %add3A_845 = arith.constant 0 : i32
      %add3A_846 = vector.broadcast %add3A_845 : i32 to vector<16xi32>
      %add3A_847 = arith.addi %add3A_780, %add3A_846 : vector<16xi32>
      tpu.vector_store_idx %arg11[%add3A_847], %gather3A_787 {add = true} : memref<2048xf32, #tpu.memory_space<vmem>>[vector<16xi32>], vector<16xf32>,
      %add3A_848 = arith.constant 16 : i32
      %add3A_849 = vector.broadcast %add3A_848 : i32 to vector<16xi32>
      %add3A_850 = arith.addi %add3A_780, %add3A_849 : vector<16xi32>
      tpu.vector_store_idx %arg11[%add3A_850], %gather3A_791 {add = true} : memref<2048xf32, #tpu.memory_space<vmem>>[vector<16xi32>], vector<16xf32>,
      %add3A_851 = arith.constant 32 : i32
      %add3A_852 = vector.broadcast %add3A_851 : i32 to vector<16xi32>
      %add3A_853 = arith.addi %add3A_780, %add3A_852 : vector<16xi32>
      tpu.vector_store_idx %arg11[%add3A_853], %gather3A_795 {add = true} : memref<2048xf32, #tpu.memory_space<vmem>>[vector<16xi32>], vector<16xf32>,
      %add3A_854 = arith.constant 48 : i32
      %add3A_855 = vector.broadcast %add3A_854 : i32 to vector<16xi32>
      %add3A_856 = arith.addi %add3A_780, %add3A_855 : vector<16xi32>
      tpu.vector_store_idx %arg11[%add3A_856], %gather3A_799 {add = true} : memref<2048xf32, #tpu.memory_space<vmem>>[vector<16xi32>], vector<16xf32>,
      %add3A_857 = arith.constant 64 : i32
      %add3A_858 = vector.broadcast %add3A_857 : i32 to vector<16xi32>
      %add3A_859 = arith.addi %add3A_780, %add3A_858 : vector<16xi32>
      tpu.vector_store_idx %arg11[%add3A_859], %broadcast_in_dim3A_184 {add = true} : memref<2048xf32, #tpu.memory_space<vmem>>[vector<16xi32>], vector<16xf32>,
    }
    %scan3A_189 = arith.constant 32 : i32
    "tpu.region"() ({
      %run_scoped3A = tpu.sem_alloc : memref<!tpu.dma_semaphore, #tpu.memory_space<semaphore_mem>>
      %dma_start3A_674 = arith.constant 0 : i32
      %dma_start3A_675 = tpu.memref_slice %arg15[%arg1, %dma_start3A_674] : memref<16x2048xf32, #tpu.memory_space<vmem_shared>> -> memref<1x2048xf32, #tpu.memory_space<vmem_shared>>
      %dma_start3A_676 = tpu.memref_squeeze %dma_start3A_675 : memref<1x2048xf32, #tpu.memory_space<vmem_shared>> -> memref<2048xf32, #tpu.memory_space<vmem_shared>>
      %dma_start3A_677 = arith.constant 0 : i32
      %dma_start3A_678 = tpu.memref_slice %arg15[%arg1, %dma_start3A_677] : memref<16x2048xf32, #tpu.memory_space<vmem_shared>> -> memref<1x2048xf32, #tpu.memory_space<vmem_shared>>
      %dma_start3A_679 = tpu.memref_squeeze %dma_start3A_678 : memref<1x2048xf32, #tpu.memory_space<vmem_shared>> -> memref<2048xf32, #tpu.memory_space<vmem_shared>>
      tpu.enqueue_dma source(%arg11 : memref<2048xf32, #tpu.memory_space<vmem>>) target(%dma_start3A_679 : memref<2048xf32, #tpu.memory_space<vmem_shared>>) target_semaphore(%run_scoped3A : memref<!tpu.dma_semaphore, #tpu.memory_space<semaphore_mem>>)
      %dma_wait3A_680 = arith.constant 0 : i32
      %dma_wait3A_681 = tpu.memref_slice %arg15[%arg1, %dma_wait3A_680] : memref<16x2048xf32, #tpu.memory_space<vmem_shared>> -> memref<1x2048xf32, #tpu.memory_space<vmem_shared>>
      %dma_wait3A_682 = tpu.memref_squeeze %dma_wait3A_681 : memref<1x2048xf32, #tpu.memory_space<vmem_shared>> -> memref<2048xf32, #tpu.memory_space<vmem_shared>>
      %dma_wait3A_683 = arith.constant 0 : i32
      %dma_wait3A_684 = tpu.memref_slice %arg15[%arg1, %dma_wait3A_683] : memref<16x2048xf32, #tpu.memory_space<vmem_shared>> -> memref<1x2048xf32, #tpu.memory_space<vmem_shared>>
      %dma_wait3A_685 = tpu.memref_squeeze %dma_wait3A_684 : memref<1x2048xf32, #tpu.memory_space<vmem_shared>> -> memref<2048xf32, #tpu.memory_space<vmem_shared>>
      tpu.wait_dma2 semaphore(%run_scoped3A : memref<!tpu.dma_semaphore, #tpu.memory_space<semaphore_mem>>) src(%arg11 : memref<2048xf32, #tpu.memory_space<vmem>>) dst(%dma_wait3A_685 : memref<2048xf32, #tpu.memory_space<vmem_shared>>)
      tpu.yield
    }) : () -> ()
    %barrier3A = arith.constant 0 : index
    tpu.barrier barrier_id(%barrier3A)
    %mul3A_190 = arith.constant 128 : i32
    %mul3A_191 = arith.muli %arg1, %mul3A_190 : i32
    "tpu.region"() ({
      %run_scoped3A = tpu.sem_alloc : memref<!tpu.dma_semaphore, #tpu.memory_space<semaphore_mem>>
      %dma_start3A_674 = arith.constant 0 : i32
      %dma_start3A_675 = tpu.memref_slice %arg15[%dma_start3A_674, %mul3A_191] : memref<16x2048xf32, #tpu.memory_space<vmem_shared>> -> memref<16x128xf32, #tpu.memory_space<vmem_shared>>
      %dma_start3A_676 = arith.constant 0 : i32
      %dma_start3A_677 = tpu.memref_slice %arg15[%dma_start3A_676, %mul3A_191] : memref<16x2048xf32, #tpu.memory_space<vmem_shared>> -> memref<16x128xf32, #tpu.memory_space<vmem_shared>>
      tpu.enqueue_dma source(%dma_start3A_677 : memref<16x128xf32, #tpu.memory_space<vmem_shared>>) target(%arg12 : memref<16x128xf32, #tpu.memory_space<vmem>>) target_semaphore(%run_scoped3A : memref<!tpu.dma_semaphore, #tpu.memory_space<semaphore_mem>>)
      %dma_wait3A_678 = arith.constant 0 : i32
      %dma_wait3A_679 = tpu.memref_slice %arg15[%dma_wait3A_678, %mul3A_191] : memref<16x2048xf32, #tpu.memory_space<vmem_shared>> -> memref<16x128xf32, #tpu.memory_space<vmem_shared>>
      %dma_wait3A_680 = arith.constant 0 : i32
      %dma_wait3A_681 = tpu.memref_slice %arg15[%dma_wait3A_680, %mul3A_191] : memref<16x2048xf32, #tpu.memory_space<vmem_shared>> -> memref<16x128xf32, #tpu.memory_space<vmem_shared>>
      tpu.wait_dma2 semaphore(%run_scoped3A : memref<!tpu.dma_semaphore, #tpu.memory_space<semaphore_mem>>) src(%dma_wait3A_681 : memref<16x128xf32, #tpu.memory_space<vmem_shared>>) dst(%arg12 : memref<16x128xf32, #tpu.memory_space<vmem>>)
      tpu.yield
    }) : () -> ()
    %get3A = arith.constant 0 : i32
    %get3A_192 = arith.index_cast %get3A : i32 to index
    %get3A_193 = arith.constant 0 : index
    %get3A_194 = tpu.vector_load %arg12[%get3A_192, %get3A_193] {strides = array<i32>} : memref<16x128xf32, #tpu.memory_space<vmem>>, vector<16xf32>,
    %get3A_195 = arith.constant 1 : i32
    %get3A_196 = arith.index_cast %get3A_195 : i32 to index
    %get3A_197 = arith.constant 0 : index
    %get3A_198 = tpu.vector_load %arg12[%get3A_196, %get3A_197] {strides = array<i32>} : memref<16x128xf32, #tpu.memory_space<vmem>>, vector<16xf32>,
    %add3A = arith.addf %get3A_194, %get3A_198 : vector<16xf32>
    %get3A_199 = arith.constant 2 : i32
    %get3A_200 = arith.index_cast %get3A_199 : i32 to index
    %get3A_201 = arith.constant 0 : index
    %get3A_202 = tpu.vector_load %arg12[%get3A_200, %get3A_201] {strides = array<i32>} : memref<16x128xf32, #tpu.memory_space<vmem>>, vector<16xf32>,
    %add3A_203 = arith.addf %add3A, %get3A_202 : vector<16xf32>
    %get3A_204 = arith.constant 3 : i32
    %get3A_205 = arith.index_cast %get3A_204 : i32 to index
    %get3A_206 = arith.constant 0 : index
    %get3A_207 = tpu.vector_load %arg12[%get3A_205, %get3A_206] {strides = array<i32>} : memref<16x128xf32, #tpu.memory_space<vmem>>, vector<16xf32>,
    %add3A_208 = arith.addf %add3A_203, %get3A_207 : vector<16xf32>
    %get3A_209 = arith.constant 4 : i32
    %get3A_210 = arith.index_cast %get3A_209 : i32 to index
    %get3A_211 = arith.constant 0 : index
    %get3A_212 = tpu.vector_load %arg12[%get3A_210, %get3A_211] {strides = array<i32>} : memref<16x128xf32, #tpu.memory_space<vmem>>, vector<16xf32>,
    %add3A_213 = arith.addf %add3A_208, %get3A_212 : vector<16xf32>
    %get3A_214 = arith.constant 5 : i32
    %get3A_215 = arith.index_cast %get3A_214 : i32 to index
    %get3A_216 = arith.constant 0 : index
    %get3A_217 = tpu.vector_load %arg12[%get3A_215, %get3A_216] {strides = array<i32>} : memref<16x128xf32, #tpu.memory_space<vmem>>, vector<16xf32>,
    %add3A_218 = arith.addf %add3A_213, %get3A_217 : vector<16xf32>
    %get3A_219 = arith.constant 6 : i32
    %get3A_220 = arith.index_cast %get3A_219 : i32 to index
    %get3A_221 = arith.constant 0 : index
    %get3A_222 = tpu.vector_load %arg12[%get3A_220, %get3A_221] {strides = array<i32>} : memref<16x128xf32, #tpu.memory_space<vmem>>, vector<16xf32>,
    %add3A_223 = arith.addf %add3A_218, %get3A_222 : vector<16xf32>
    %get3A_224 = arith.constant 7 : i32
    %get3A_225 = arith.index_cast %get3A_224 : i32 to index
    %get3A_226 = arith.constant 0 : index
    %get3A_227 = tpu.vector_load %arg12[%get3A_225, %get3A_226] {strides = array<i32>} : memref<16x128xf32, #tpu.memory_space<vmem>>, vector<16xf32>,
    %add3A_228 = arith.addf %add3A_223, %get3A_227 : vector<16xf32>
    %get3A_229 = arith.constant 8 : i32
    %get3A_230 = arith.index_cast %get3A_229 : i32 to index
    %get3A_231 = arith.constant 0 : index
    %get3A_232 = tpu.vector_load %arg12[%get3A_230, %get3A_231] {strides = array<i32>} : memref<16x128xf32, #tpu.memory_space<vmem>>, vector<16xf32>,
    %add3A_233 = arith.addf %add3A_228, %get3A_232 : vector<16xf32>
    %get3A_234 = arith.constant 9 : i32
    %get3A_235 = arith.index_cast %get3A_234 : i32 to index
    %get3A_236 = arith.constant 0 : index
    %get3A_237 = tpu.vector_load %arg12[%get3A_235, %get3A_236] {strides = array<i32>} : memref<16x128xf32, #tpu.memory_space<vmem>>, vector<16xf32>,
    %add3A_238 = arith.addf %add3A_233, %get3A_237 : vector<16xf32>
    %get3A_239 = arith.constant 10 : i32
    %get3A_240 = arith.index_cast %get3A_239 : i32 to index
    %get3A_241 = arith.constant 0 : index
    %get3A_242 = tpu.vector_load %arg12[%get3A_240, %get3A_241] {strides = array<i32>} : memref<16x128xf32, #tpu.memory_space<vmem>>, vector<16xf32>,
    %add3A_243 = arith.addf %add3A_238, %get3A_242 : vector<16xf32>
    %get3A_244 = arith.constant 11 : i32
    %get3A_245 = arith.index_cast %get3A_244 : i32 to index
    %get3A_246 = arith.constant 0 : index
    %get3A_247 = tpu.vector_load %arg12[%get3A_245, %get3A_246] {strides = array<i32>} : memref<16x128xf32, #tpu.memory_space<vmem>>, vector<16xf32>,
    %add3A_248 = arith.addf %add3A_243, %get3A_247 : vector<16xf32>
    %get3A_249 = arith.constant 12 : i32
    %get3A_250 = arith.index_cast %get3A_249 : i32 to index
    %get3A_251 = arith.constant 0 : index
    %get3A_252 = tpu.vector_load %arg12[%get3A_250, %get3A_251] {strides = array<i32>} : memref<16x128xf32, #tpu.memory_space<vmem>>, vector<16xf32>,
    %add3A_253 = arith.addf %add3A_248, %get3A_252 : vector<16xf32>
    %get3A_254 = arith.constant 13 : i32
    %get3A_255 = arith.index_cast %get3A_254 : i32 to index
    %get3A_256 = arith.constant 0 : index
    %get3A_257 = tpu.vector_load %arg12[%get3A_255, %get3A_256] {strides = array<i32>} : memref<16x128xf32, #tpu.memory_space<vmem>>, vector<16xf32>,
    %add3A_258 = arith.addf %add3A_253, %get3A_257 : vector<16xf32>
    %get3A_259 = arith.constant 14 : i32
    %get3A_260 = arith.index_cast %get3A_259 : i32 to index
    %get3A_261 = arith.constant 0 : index
    %get3A_262 = tpu.vector_load %arg12[%get3A_260, %get3A_261] {strides = array<i32>} : memref<16x128xf32, #tpu.memory_space<vmem>>, vector<16xf32>,
    %add3A_263 = arith.addf %add3A_258, %get3A_262 : vector<16xf32>
    %get3A_264 = arith.constant 15 : i32
    %get3A_265 = arith.index_cast %get3A_264 : i32 to index
    %get3A_266 = arith.constant 0 : index
    %get3A_267 = tpu.vector_load %arg12[%get3A_265, %get3A_266] {strides = array<i32>} : memref<16x128xf32, #tpu.memory_space<vmem>>, vector<16xf32>,
    %add3A_268 = arith.addf %add3A_263, %get3A_267 : vector<16xf32>
    %reduce_sum3A = arith.constant true
    %reduce_sum3A_269 = vector.broadcast %reduce_sum3A : i1 to vector<16xi1>
    %reduce_sum3A_270 = tpu.scan <sum>, %add3A_268 masked %reduce_sum3A_269 : vector<16xf32>, vector<16xi1> -> vector<16xf32>
    %reduce_sum3A_271 = vector.extract %reduce_sum3A_270[15] : f32 from vector<16xf32>
    %get3A_272 = arith.constant 0 : i32
    %get3A_273 = arith.index_cast %get3A_272 : i32 to index
    %get3A_274 = arith.constant 16 : index
    %get3A_275 = tpu.vector_load %arg12[%get3A_273, %get3A_274] {strides = array<i32>} : memref<16x128xf32, #tpu.memory_space<vmem>>, vector<16xf32>,
    %get3A_276 = arith.constant 1 : i32
    %get3A_277 = arith.index_cast %get3A_276 : i32 to index
    %get3A_278 = arith.constant 16 : index
    %get3A_279 = tpu.vector_load %arg12[%get3A_277, %get3A_278] {strides = array<i32>} : memref<16x128xf32, #tpu.memory_space<vmem>>, vector<16xf32>,
    %add3A_280 = arith.addf %get3A_275, %get3A_279 : vector<16xf32>
    %get3A_281 = arith.constant 2 : i32
    %get3A_282 = arith.index_cast %get3A_281 : i32 to index
    %get3A_283 = arith.constant 16 : index
    %get3A_284 = tpu.vector_load %arg12[%get3A_282, %get3A_283] {strides = array<i32>} : memref<16x128xf32, #tpu.memory_space<vmem>>, vector<16xf32>,
    %add3A_285 = arith.addf %add3A_280, %get3A_284 : vector<16xf32>
    %get3A_286 = arith.constant 3 : i32
    %get3A_287 = arith.index_cast %get3A_286 : i32 to index
    %get3A_288 = arith.constant 16 : index
    %get3A_289 = tpu.vector_load %arg12[%get3A_287, %get3A_288] {strides = array<i32>} : memref<16x128xf32, #tpu.memory_space<vmem>>, vector<16xf32>,
    %add3A_290 = arith.addf %add3A_285, %get3A_289 : vector<16xf32>
    %get3A_291 = arith.constant 4 : i32
    %get3A_292 = arith.index_cast %get3A_291 : i32 to index
    %get3A_293 = arith.constant 16 : index
    %get3A_294 = tpu.vector_load %arg12[%get3A_292, %get3A_293] {strides = array<i32>} : memref<16x128xf32, #tpu.memory_space<vmem>>, vector<16xf32>,
    %add3A_295 = arith.addf %add3A_290, %get3A_294 : vector<16xf32>
    %get3A_296 = arith.constant 5 : i32
    %get3A_297 = arith.index_cast %get3A_296 : i32 to index
    %get3A_298 = arith.constant 16 : index
    %get3A_299 = tpu.vector_load %arg12[%get3A_297, %get3A_298] {strides = array<i32>} : memref<16x128xf32, #tpu.memory_space<vmem>>, vector<16xf32>,
    %add3A_300 = arith.addf %add3A_295, %get3A_299 : vector<16xf32>
    %get3A_301 = arith.constant 6 : i32
    %get3A_302 = arith.index_cast %get3A_301 : i32 to index
    %get3A_303 = arith.constant 16 : index
    %get3A_304 = tpu.vector_load %arg12[%get3A_302, %get3A_303] {strides = array<i32>} : memref<16x128xf32, #tpu.memory_space<vmem>>, vector<16xf32>,
    %add3A_305 = arith.addf %add3A_300, %get3A_304 : vector<16xf32>
    %get3A_306 = arith.constant 7 : i32
    %get3A_307 = arith.index_cast %get3A_306 : i32 to index
    %get3A_308 = arith.constant 16 : index
    %get3A_309 = tpu.vector_load %arg12[%get3A_307, %get3A_308] {strides = array<i32>} : memref<16x128xf32, #tpu.memory_space<vmem>>, vector<16xf32>,
    %add3A_310 = arith.addf %add3A_305, %get3A_309 : vector<16xf32>
    %get3A_311 = arith.constant 8 : i32
    %get3A_312 = arith.index_cast %get3A_311 : i32 to index
    %get3A_313 = arith.constant 16 : index
    %get3A_314 = tpu.vector_load %arg12[%get3A_312, %get3A_313] {strides = array<i32>} : memref<16x128xf32, #tpu.memory_space<vmem>>, vector<16xf32>,
    %add3A_315 = arith.addf %add3A_310, %get3A_314 : vector<16xf32>
    %get3A_316 = arith.constant 9 : i32
    %get3A_317 = arith.index_cast %get3A_316 : i32 to index
    %get3A_318 = arith.constant 16 : index
    %get3A_319 = tpu.vector_load %arg12[%get3A_317, %get3A_318] {strides = array<i32>} : memref<16x128xf32, #tpu.memory_space<vmem>>, vector<16xf32>,
    %add3A_320 = arith.addf %add3A_315, %get3A_319 : vector<16xf32>
    %get3A_321 = arith.constant 10 : i32
    %get3A_322 = arith.index_cast %get3A_321 : i32 to index
    %get3A_323 = arith.constant 16 : index
    %get3A_324 = tpu.vector_load %arg12[%get3A_322, %get3A_323] {strides = array<i32>} : memref<16x128xf32, #tpu.memory_space<vmem>>, vector<16xf32>,
    %add3A_325 = arith.addf %add3A_320, %get3A_324 : vector<16xf32>
    %get3A_326 = arith.constant 11 : i32
    %get3A_327 = arith.index_cast %get3A_326 : i32 to index
    %get3A_328 = arith.constant 16 : index
    %get3A_329 = tpu.vector_load %arg12[%get3A_327, %get3A_328] {strides = array<i32>} : memref<16x128xf32, #tpu.memory_space<vmem>>, vector<16xf32>,
    %add3A_330 = arith.addf %add3A_325, %get3A_329 : vector<16xf32>
    %get3A_331 = arith.constant 12 : i32
    %get3A_332 = arith.index_cast %get3A_331 : i32 to index
    %get3A_333 = arith.constant 16 : index
    %get3A_334 = tpu.vector_load %arg12[%get3A_332, %get3A_333] {strides = array<i32>} : memref<16x128xf32, #tpu.memory_space<vmem>>, vector<16xf32>,
    %add3A_335 = arith.addf %add3A_330, %get3A_334 : vector<16xf32>
    %get3A_336 = arith.constant 13 : i32
    %get3A_337 = arith.index_cast %get3A_336 : i32 to index
    %get3A_338 = arith.constant 16 : index
    %get3A_339 = tpu.vector_load %arg12[%get3A_337, %get3A_338] {strides = array<i32>} : memref<16x128xf32, #tpu.memory_space<vmem>>, vector<16xf32>,
    %add3A_340 = arith.addf %add3A_335, %get3A_339 : vector<16xf32>
    %get3A_341 = arith.constant 14 : i32
    %get3A_342 = arith.index_cast %get3A_341 : i32 to index
    %get3A_343 = arith.constant 16 : index
    %get3A_344 = tpu.vector_load %arg12[%get3A_342, %get3A_343] {strides = array<i32>} : memref<16x128xf32, #tpu.memory_space<vmem>>, vector<16xf32>,
    %add3A_345 = arith.addf %add3A_340, %get3A_344 : vector<16xf32>
    %get3A_346 = arith.constant 15 : i32
    %get3A_347 = arith.index_cast %get3A_346 : i32 to index
    %get3A_348 = arith.constant 16 : index
    %get3A_349 = tpu.vector_load %arg12[%get3A_347, %get3A_348] {strides = array<i32>} : memref<16x128xf32, #tpu.memory_space<vmem>>, vector<16xf32>,
    %add3A_350 = arith.addf %add3A_345, %get3A_349 : vector<16xf32>
    %reduce_sum3A_351 = arith.constant true
    %reduce_sum3A_352 = vector.broadcast %reduce_sum3A_351 : i1 to vector<16xi1>
    %reduce_sum3A_353 = tpu.scan <sum>, %add3A_350 masked %reduce_sum3A_352 : vector<16xf32>, vector<16xi1> -> vector<16xf32>
    %reduce_sum3A_354 = vector.extract %reduce_sum3A_353[15] : f32 from vector<16xf32>
    %get3A_355 = arith.constant 0 : i32
    %get3A_356 = arith.index_cast %get3A_355 : i32 to index
    %get3A_357 = arith.constant 32 : index
    %get3A_358 = tpu.vector_load %arg12[%get3A_356, %get3A_357] {strides = array<i32>} : memref<16x128xf32, #tpu.memory_space<vmem>>, vector<16xf32>,
    %get3A_359 = arith.constant 1 : i32
    %get3A_360 = arith.index_cast %get3A_359 : i32 to index
    %get3A_361 = arith.constant 32 : index
    %get3A_362 = tpu.vector_load %arg12[%get3A_360, %get3A_361] {strides = array<i32>} : memref<16x128xf32, #tpu.memory_space<vmem>>, vector<16xf32>,
    %add3A_363 = arith.addf %get3A_358, %get3A_362 : vector<16xf32>
    %get3A_364 = arith.constant 2 : i32
    %get3A_365 = arith.index_cast %get3A_364 : i32 to index
    %get3A_366 = arith.constant 32 : index
    %get3A_367 = tpu.vector_load %arg12[%get3A_365, %get3A_366] {strides = array<i32>} : memref<16x128xf32, #tpu.memory_space<vmem>>, vector<16xf32>,
    %add3A_368 = arith.addf %add3A_363, %get3A_367 : vector<16xf32>
    %get3A_369 = arith.constant 3 : i32
    %get3A_370 = arith.index_cast %get3A_369 : i32 to index
    %get3A_371 = arith.constant 32 : index
    %get3A_372 = tpu.vector_load %arg12[%get3A_370, %get3A_371] {strides = array<i32>} : memref<16x128xf32, #tpu.memory_space<vmem>>, vector<16xf32>,
    %add3A_373 = arith.addf %add3A_368, %get3A_372 : vector<16xf32>
    %get3A_374 = arith.constant 4 : i32
    %get3A_375 = arith.index_cast %get3A_374 : i32 to index
    %get3A_376 = arith.constant 32 : index
    %get3A_377 = tpu.vector_load %arg12[%get3A_375, %get3A_376] {strides = array<i32>} : memref<16x128xf32, #tpu.memory_space<vmem>>, vector<16xf32>,
    %add3A_378 = arith.addf %add3A_373, %get3A_377 : vector<16xf32>
    %get3A_379 = arith.constant 5 : i32
    %get3A_380 = arith.index_cast %get3A_379 : i32 to index
    %get3A_381 = arith.constant 32 : index
    %get3A_382 = tpu.vector_load %arg12[%get3A_380, %get3A_381] {strides = array<i32>} : memref<16x128xf32, #tpu.memory_space<vmem>>, vector<16xf32>,
    %add3A_383 = arith.addf %add3A_378, %get3A_382 : vector<16xf32>
    %get3A_384 = arith.constant 6 : i32
    %get3A_385 = arith.index_cast %get3A_384 : i32 to index
    %get3A_386 = arith.constant 32 : index
    %get3A_387 = tpu.vector_load %arg12[%get3A_385, %get3A_386] {strides = array<i32>} : memref<16x128xf32, #tpu.memory_space<vmem>>, vector<16xf32>,
    %add3A_388 = arith.addf %add3A_383, %get3A_387 : vector<16xf32>
    %get3A_389 = arith.constant 7 : i32
    %get3A_390 = arith.index_cast %get3A_389 : i32 to index
    %get3A_391 = arith.constant 32 : index
    %get3A_392 = tpu.vector_load %arg12[%get3A_390, %get3A_391] {strides = array<i32>} : memref<16x128xf32, #tpu.memory_space<vmem>>, vector<16xf32>,
    %add3A_393 = arith.addf %add3A_388, %get3A_392 : vector<16xf32>
    %get3A_394 = arith.constant 8 : i32
    %get3A_395 = arith.index_cast %get3A_394 : i32 to index
    %get3A_396 = arith.constant 32 : index
    %get3A_397 = tpu.vector_load %arg12[%get3A_395, %get3A_396] {strides = array<i32>} : memref<16x128xf32, #tpu.memory_space<vmem>>, vector<16xf32>,
    %add3A_398 = arith.addf %add3A_393, %get3A_397 : vector<16xf32>
    %get3A_399 = arith.constant 9 : i32
    %get3A_400 = arith.index_cast %get3A_399 : i32 to index
    %get3A_401 = arith.constant 32 : index
    %get3A_402 = tpu.vector_load %arg12[%get3A_400, %get3A_401] {strides = array<i32>} : memref<16x128xf32, #tpu.memory_space<vmem>>, vector<16xf32>,
    %add3A_403 = arith.addf %add3A_398, %get3A_402 : vector<16xf32>
    %get3A_404 = arith.constant 10 : i32
    %get3A_405 = arith.index_cast %get3A_404 : i32 to index
    %get3A_406 = arith.constant 32 : index
    %get3A_407 = tpu.vector_load %arg12[%get3A_405, %get3A_406] {strides = array<i32>} : memref<16x128xf32, #tpu.memory_space<vmem>>, vector<16xf32>,
    %add3A_408 = arith.addf %add3A_403, %get3A_407 : vector<16xf32>
    %get3A_409 = arith.constant 11 : i32
    %get3A_410 = arith.index_cast %get3A_409 : i32 to index
    %get3A_411 = arith.constant 32 : index
    %get3A_412 = tpu.vector_load %arg12[%get3A_410, %get3A_411] {strides = array<i32>} : memref<16x128xf32, #tpu.memory_space<vmem>>, vector<16xf32>,
    %add3A_413 = arith.addf %add3A_408, %get3A_412 : vector<16xf32>
    %get3A_414 = arith.constant 12 : i32
    %get3A_415 = arith.index_cast %get3A_414 : i32 to index
    %get3A_416 = arith.constant 32 : index
    %get3A_417 = tpu.vector_load %arg12[%get3A_415, %get3A_416] {strides = array<i32>} : memref<16x128xf32, #tpu.memory_space<vmem>>, vector<16xf32>,
    %add3A_418 = arith.addf %add3A_413, %get3A_417 : vector<16xf32>
    %get3A_419 = arith.constant 13 : i32
    %get3A_420 = arith.index_cast %get3A_419 : i32 to index
    %get3A_421 = arith.constant 32 : index
    %get3A_422 = tpu.vector_load %arg12[%get3A_420, %get3A_421] {strides = array<i32>} : memref<16x128xf32, #tpu.memory_space<vmem>>, vector<16xf32>,
    %add3A_423 = arith.addf %add3A_418, %get3A_422 : vector<16xf32>
    %get3A_424 = arith.constant 14 : i32
    %get3A_425 = arith.index_cast %get3A_424 : i32 to index
    %get3A_426 = arith.constant 32 : index
    %get3A_427 = tpu.vector_load %arg12[%get3A_425, %get3A_426] {strides = array<i32>} : memref<16x128xf32, #tpu.memory_space<vmem>>, vector<16xf32>,
    %add3A_428 = arith.addf %add3A_423, %get3A_427 : vector<16xf32>
    %get3A_429 = arith.constant 15 : i32
    %get3A_430 = arith.index_cast %get3A_429 : i32 to index
    %get3A_431 = arith.constant 32 : index
    %get3A_432 = tpu.vector_load %arg12[%get3A_430, %get3A_431] {strides = array<i32>} : memref<16x128xf32, #tpu.memory_space<vmem>>, vector<16xf32>,
    %add3A_433 = arith.addf %add3A_428, %get3A_432 : vector<16xf32>
    %reduce_sum3A_434 = arith.constant true
    %reduce_sum3A_435 = vector.broadcast %reduce_sum3A_434 : i1 to vector<16xi1>
    %reduce_sum3A_436 = tpu.scan <sum>, %add3A_433 masked %reduce_sum3A_435 : vector<16xf32>, vector<16xi1> -> vector<16xf32>
    %reduce_sum3A_437 = vector.extract %reduce_sum3A_436[15] : f32 from vector<16xf32>
    %get3A_438 = arith.constant 0 : i32
    %get3A_439 = arith.index_cast %get3A_438 : i32 to index
    %get3A_440 = arith.constant 48 : index
    %get3A_441 = tpu.vector_load %arg12[%get3A_439, %get3A_440] {strides = array<i32>} : memref<16x128xf32, #tpu.memory_space<vmem>>, vector<16xf32>,
    %get3A_442 = arith.constant 1 : i32
    %get3A_443 = arith.index_cast %get3A_442 : i32 to index
    %get3A_444 = arith.constant 48 : index
    %get3A_445 = tpu.vector_load %arg12[%get3A_443, %get3A_444] {strides = array<i32>} : memref<16x128xf32, #tpu.memory_space<vmem>>, vector<16xf32>,
    %add3A_446 = arith.addf %get3A_441, %get3A_445 : vector<16xf32>
    %get3A_447 = arith.constant 2 : i32
    %get3A_448 = arith.index_cast %get3A_447 : i32 to index
    %get3A_449 = arith.constant 48 : index
    %get3A_450 = tpu.vector_load %arg12[%get3A_448, %get3A_449] {strides = array<i32>} : memref<16x128xf32, #tpu.memory_space<vmem>>, vector<16xf32>,
    %add3A_451 = arith.addf %add3A_446, %get3A_450 : vector<16xf32>
    %get3A_452 = arith.constant 3 : i32
    %get3A_453 = arith.index_cast %get3A_452 : i32 to index
    %get3A_454 = arith.constant 48 : index
    %get3A_455 = tpu.vector_load %arg12[%get3A_453, %get3A_454] {strides = array<i32>} : memref<16x128xf32, #tpu.memory_space<vmem>>, vector<16xf32>,
    %add3A_456 = arith.addf %add3A_451, %get3A_455 : vector<16xf32>
    %get3A_457 = arith.constant 4 : i32
    %get3A_458 = arith.index_cast %get3A_457 : i32 to index
    %get3A_459 = arith.constant 48 : index
    %get3A_460 = tpu.vector_load %arg12[%get3A_458, %get3A_459] {strides = array<i32>} : memref<16x128xf32, #tpu.memory_space<vmem>>, vector<16xf32>,
    %add3A_461 = arith.addf %add3A_456, %get3A_460 : vector<16xf32>
    %get3A_462 = arith.constant 5 : i32
    %get3A_463 = arith.index_cast %get3A_462 : i32 to index
    %get3A_464 = arith.constant 48 : index
    %get3A_465 = tpu.vector_load %arg12[%get3A_463, %get3A_464] {strides = array<i32>} : memref<16x128xf32, #tpu.memory_space<vmem>>, vector<16xf32>,
    %add3A_466 = arith.addf %add3A_461, %get3A_465 : vector<16xf32>
    %get3A_467 = arith.constant 6 : i32
    %get3A_468 = arith.index_cast %get3A_467 : i32 to index
    %get3A_469 = arith.constant 48 : index
    %get3A_470 = tpu.vector_load %arg12[%get3A_468, %get3A_469] {strides = array<i32>} : memref<16x128xf32, #tpu.memory_space<vmem>>, vector<16xf32>,
    %add3A_471 = arith.addf %add3A_466, %get3A_470 : vector<16xf32>
    %get3A_472 = arith.constant 7 : i32
    %get3A_473 = arith.index_cast %get3A_472 : i32 to index
    %get3A_474 = arith.constant 48 : index
    %get3A_475 = tpu.vector_load %arg12[%get3A_473, %get3A_474] {strides = array<i32>} : memref<16x128xf32, #tpu.memory_space<vmem>>, vector<16xf32>,
    %add3A_476 = arith.addf %add3A_471, %get3A_475 : vector<16xf32>
    %get3A_477 = arith.constant 8 : i32
    %get3A_478 = arith.index_cast %get3A_477 : i32 to index
    %get3A_479 = arith.constant 48 : index
    %get3A_480 = tpu.vector_load %arg12[%get3A_478, %get3A_479] {strides = array<i32>} : memref<16x128xf32, #tpu.memory_space<vmem>>, vector<16xf32>,
    %add3A_481 = arith.addf %add3A_476, %get3A_480 : vector<16xf32>
    %get3A_482 = arith.constant 9 : i32
    %get3A_483 = arith.index_cast %get3A_482 : i32 to index
    %get3A_484 = arith.constant 48 : index
    %get3A_485 = tpu.vector_load %arg12[%get3A_483, %get3A_484] {strides = array<i32>} : memref<16x128xf32, #tpu.memory_space<vmem>>, vector<16xf32>,
    %add3A_486 = arith.addf %add3A_481, %get3A_485 : vector<16xf32>
    %get3A_487 = arith.constant 10 : i32
    %get3A_488 = arith.index_cast %get3A_487 : i32 to index
    %get3A_489 = arith.constant 48 : index
    %get3A_490 = tpu.vector_load %arg12[%get3A_488, %get3A_489] {strides = array<i32>} : memref<16x128xf32, #tpu.memory_space<vmem>>, vector<16xf32>,
    %add3A_491 = arith.addf %add3A_486, %get3A_490 : vector<16xf32>
    %get3A_492 = arith.constant 11 : i32
    %get3A_493 = arith.index_cast %get3A_492 : i32 to index
    %get3A_494 = arith.constant 48 : index
    %get3A_495 = tpu.vector_load %arg12[%get3A_493, %get3A_494] {strides = array<i32>} : memref<16x128xf32, #tpu.memory_space<vmem>>, vector<16xf32>,
    %add3A_496 = arith.addf %add3A_491, %get3A_495 : vector<16xf32>
    %get3A_497 = arith.constant 12 : i32
    %get3A_498 = arith.index_cast %get3A_497 : i32 to index
    %get3A_499 = arith.constant 48 : index
    %get3A_500 = tpu.vector_load %arg12[%get3A_498, %get3A_499] {strides = array<i32>} : memref<16x128xf32, #tpu.memory_space<vmem>>, vector<16xf32>,
    %add3A_501 = arith.addf %add3A_496, %get3A_500 : vector<16xf32>
    %get3A_502 = arith.constant 13 : i32
    %get3A_503 = arith.index_cast %get3A_502 : i32 to index
    %get3A_504 = arith.constant 48 : index
    %get3A_505 = tpu.vector_load %arg12[%get3A_503, %get3A_504] {strides = array<i32>} : memref<16x128xf32, #tpu.memory_space<vmem>>, vector<16xf32>,
    %add3A_506 = arith.addf %add3A_501, %get3A_505 : vector<16xf32>
    %get3A_507 = arith.constant 14 : i32
    %get3A_508 = arith.index_cast %get3A_507 : i32 to index
    %get3A_509 = arith.constant 48 : index
    %get3A_510 = tpu.vector_load %arg12[%get3A_508, %get3A_509] {strides = array<i32>} : memref<16x128xf32, #tpu.memory_space<vmem>>, vector<16xf32>,
    %add3A_511 = arith.addf %add3A_506, %get3A_510 : vector<16xf32>
    %get3A_512 = arith.constant 15 : i32
    %get3A_513 = arith.index_cast %get3A_512 : i32 to index
    %get3A_514 = arith.constant 48 : index
    %get3A_515 = tpu.vector_load %arg12[%get3A_513, %get3A_514] {strides = array<i32>} : memref<16x128xf32, #tpu.memory_space<vmem>>, vector<16xf32>,
    %add3A_516 = arith.addf %add3A_511, %get3A_515 : vector<16xf32>
    %reduce_sum3A_517 = arith.constant true
    %reduce_sum3A_518 = vector.broadcast %reduce_sum3A_517 : i1 to vector<16xi1>
    %reduce_sum3A_519 = tpu.scan <sum>, %add3A_516 masked %reduce_sum3A_518 : vector<16xf32>, vector<16xi1> -> vector<16xf32>
    %reduce_sum3A_520 = vector.extract %reduce_sum3A_519[15] : f32 from vector<16xf32>
    %get3A_521 = arith.constant 0 : i32
    %get3A_522 = arith.index_cast %get3A_521 : i32 to index
    %get3A_523 = arith.constant 64 : index
    %get3A_524 = tpu.vector_load %arg12[%get3A_522, %get3A_523] {strides = array<i32>} : memref<16x128xf32, #tpu.memory_space<vmem>>, vector<16xf32>,
    %get3A_525 = arith.constant 1 : i32
    %get3A_526 = arith.index_cast %get3A_525 : i32 to index
    %get3A_527 = arith.constant 64 : index
    %get3A_528 = tpu.vector_load %arg12[%get3A_526, %get3A_527] {strides = array<i32>} : memref<16x128xf32, #tpu.memory_space<vmem>>, vector<16xf32>,
    %add3A_529 = arith.addf %get3A_524, %get3A_528 : vector<16xf32>
    %get3A_530 = arith.constant 2 : i32
    %get3A_531 = arith.index_cast %get3A_530 : i32 to index
    %get3A_532 = arith.constant 64 : index
    %get3A_533 = tpu.vector_load %arg12[%get3A_531, %get3A_532] {strides = array<i32>} : memref<16x128xf32, #tpu.memory_space<vmem>>, vector<16xf32>,
    %add3A_534 = arith.addf %add3A_529, %get3A_533 : vector<16xf32>
    %get3A_535 = arith.constant 3 : i32
    %get3A_536 = arith.index_cast %get3A_535 : i32 to index
    %get3A_537 = arith.constant 64 : index
    %get3A_538 = tpu.vector_load %arg12[%get3A_536, %get3A_537] {strides = array<i32>} : memref<16x128xf32, #tpu.memory_space<vmem>>, vector<16xf32>,
    %add3A_539 = arith.addf %add3A_534, %get3A_538 : vector<16xf32>
    %get3A_540 = arith.constant 4 : i32
    %get3A_541 = arith.index_cast %get3A_540 : i32 to index
    %get3A_542 = arith.constant 64 : index
    %get3A_543 = tpu.vector_load %arg12[%get3A_541, %get3A_542] {strides = array<i32>} : memref<16x128xf32, #tpu.memory_space<vmem>>, vector<16xf32>,
    %add3A_544 = arith.addf %add3A_539, %get3A_543 : vector<16xf32>
    %get3A_545 = arith.constant 5 : i32
    %get3A_546 = arith.index_cast %get3A_545 : i32 to index
    %get3A_547 = arith.constant 64 : index
    %get3A_548 = tpu.vector_load %arg12[%get3A_546, %get3A_547] {strides = array<i32>} : memref<16x128xf32, #tpu.memory_space<vmem>>, vector<16xf32>,
    %add3A_549 = arith.addf %add3A_544, %get3A_548 : vector<16xf32>
    %get3A_550 = arith.constant 6 : i32
    %get3A_551 = arith.index_cast %get3A_550 : i32 to index
    %get3A_552 = arith.constant 64 : index
    %get3A_553 = tpu.vector_load %arg12[%get3A_551, %get3A_552] {strides = array<i32>} : memref<16x128xf32, #tpu.memory_space<vmem>>, vector<16xf32>,
    %add3A_554 = arith.addf %add3A_549, %get3A_553 : vector<16xf32>
    %get3A_555 = arith.constant 7 : i32
    %get3A_556 = arith.index_cast %get3A_555 : i32 to index
    %get3A_557 = arith.constant 64 : index
    %get3A_558 = tpu.vector_load %arg12[%get3A_556, %get3A_557] {strides = array<i32>} : memref<16x128xf32, #tpu.memory_space<vmem>>, vector<16xf32>,
    %add3A_559 = arith.addf %add3A_554, %get3A_558 : vector<16xf32>
    %get3A_560 = arith.constant 8 : i32
    %get3A_561 = arith.index_cast %get3A_560 : i32 to index
    %get3A_562 = arith.constant 64 : index
    %get3A_563 = tpu.vector_load %arg12[%get3A_561, %get3A_562] {strides = array<i32>} : memref<16x128xf32, #tpu.memory_space<vmem>>, vector<16xf32>,
    %add3A_564 = arith.addf %add3A_559, %get3A_563 : vector<16xf32>
    %get3A_565 = arith.constant 9 : i32
    %get3A_566 = arith.index_cast %get3A_565 : i32 to index
    %get3A_567 = arith.constant 64 : index
    %get3A_568 = tpu.vector_load %arg12[%get3A_566, %get3A_567] {strides = array<i32>} : memref<16x128xf32, #tpu.memory_space<vmem>>, vector<16xf32>,
    %add3A_569 = arith.addf %add3A_564, %get3A_568 : vector<16xf32>
    %get3A_570 = arith.constant 10 : i32
    %get3A_571 = arith.index_cast %get3A_570 : i32 to index
    %get3A_572 = arith.constant 64 : index
    %get3A_573 = tpu.vector_load %arg12[%get3A_571, %get3A_572] {strides = array<i32>} : memref<16x128xf32, #tpu.memory_space<vmem>>, vector<16xf32>,
    %add3A_574 = arith.addf %add3A_569, %get3A_573 : vector<16xf32>
    %get3A_575 = arith.constant 11 : i32
    %get3A_576 = arith.index_cast %get3A_575 : i32 to index
    %get3A_577 = arith.constant 64 : index
    %get3A_578 = tpu.vector_load %arg12[%get3A_576, %get3A_577] {strides = array<i32>} : memref<16x128xf32, #tpu.memory_space<vmem>>, vector<16xf32>,
    %add3A_579 = arith.addf %add3A_574, %get3A_578 : vector<16xf32>
    %get3A_580 = arith.constant 12 : i32
    %get3A_581 = arith.index_cast %get3A_580 : i32 to index
    %get3A_582 = arith.constant 64 : index
    %get3A_583 = tpu.vector_load %arg12[%get3A_581, %get3A_582] {strides = array<i32>} : memref<16x128xf32, #tpu.memory_space<vmem>>, vector<16xf32>,
    %add3A_584 = arith.addf %add3A_579, %get3A_583 : vector<16xf32>
    %get3A_585 = arith.constant 13 : i32
    %get3A_586 = arith.index_cast %get3A_585 : i32 to index
    %get3A_587 = arith.constant 64 : index
    %get3A_588 = tpu.vector_load %arg12[%get3A_586, %get3A_587] {strides = array<i32>} : memref<16x128xf32, #tpu.memory_space<vmem>>, vector<16xf32>,
    %add3A_589 = arith.addf %add3A_584, %get3A_588 : vector<16xf32>
    %get3A_590 = arith.constant 14 : i32
    %get3A_591 = arith.index_cast %get3A_590 : i32 to index
    %get3A_592 = arith.constant 64 : index
    %get3A_593 = tpu.vector_load %arg12[%get3A_591, %get3A_592] {strides = array<i32>} : memref<16x128xf32, #tpu.memory_space<vmem>>, vector<16xf32>,
    %add3A_594 = arith.addf %add3A_589, %get3A_593 : vector<16xf32>
    %get3A_595 = arith.constant 15 : i32
    %get3A_596 = arith.index_cast %get3A_595 : i32 to index
    %get3A_597 = arith.constant 64 : index
    %get3A_598 = tpu.vector_load %arg12[%get3A_596, %get3A_597] {strides = array<i32>} : memref<16x128xf32, #tpu.memory_space<vmem>>, vector<16xf32>,
    %add3A_599 = arith.addf %add3A_594, %get3A_598 : vector<16xf32>
    %reduce_sum3A_600 = arith.constant true
    %reduce_sum3A_601 = vector.broadcast %reduce_sum3A_600 : i1 to vector<16xi1>
    %reduce_sum3A_602 = tpu.scan <sum>, %add3A_599 masked %reduce_sum3A_601 : vector<16xf32>, vector<16xi1> -> vector<16xf32>
    %reduce_sum3A_603 = vector.extract %reduce_sum3A_602[15] : f32 from vector<16xf32>
    %broadcast_in_dim3A_604 = vector.broadcast %reduce_sum3A_603 : f32 to vector<16xf32>
    %max3A = arith.constant 1.000000e+00 : f32
    %max3A_605 = vector.broadcast %max3A : f32 to vector<16xf32>
    %max3A_606 = arith.maximumf %broadcast_in_dim3A_604, %max3A_605 : vector<16xf32>
    %broadcast_in_dim3A_607 = vector.broadcast %reduce_sum3A_271 : f32 to vector<16xf32>
    %div3A = arith.divf %broadcast_in_dim3A_607, %max3A_606 : vector<16xf32>
    %broadcast_in_dim3A_608 = vector.broadcast %reduce_sum3A_354 : f32 to vector<16xf32>
    %div3A_609 = arith.divf %broadcast_in_dim3A_608, %max3A_606 : vector<16xf32>
    %broadcast_in_dim3A_610 = vector.broadcast %reduce_sum3A_437 : f32 to vector<16xf32>
    %div3A_611 = arith.divf %broadcast_in_dim3A_610, %max3A_606 : vector<16xf32>
    %broadcast_in_dim3A_612 = vector.broadcast %reduce_sum3A_520 : f32 to vector<16xf32>
    %div3A_613 = arith.divf %broadcast_in_dim3A_612, %max3A_606 : vector<16xf32>
    %get3A_614 = arith.constant 0 : index
    %get3A_615 = tpu.vector_load %arg13[%get3A_614] {strides = array<i32>} : memref<16xf32, #tpu.memory_space<vmem>>, vector<16xf32>,
    %slice3A = vector.extract_strided_slice %get3A_615 {offsets = [8], sizes = [1], strides = [1]} : vector<16xf32> to vector<1xf32>
    %squeeze3A = vector.extract %slice3A[0] : f32 from vector<1xf32>
    %broadcast_in_dim3A_616 = vector.broadcast %squeeze3A : f32 to vector<16xf32>
    %slice3A_617 = vector.extract_strided_slice %get3A_615 {offsets = [0], sizes = [1], strides = [1]} : vector<16xf32> to vector<1xf32>
    %squeeze3A_618 = vector.extract %slice3A_617[0] : f32 from vector<1xf32>
    %broadcast_in_dim3A_619 = vector.broadcast %squeeze3A_618 : f32 to vector<16xf32>
    %mul3A_620 = arith.mulf %div3A, %broadcast_in_dim3A_619 : vector<16xf32>
    %add3A_621 = arith.addf %broadcast_in_dim3A_616, %mul3A_620 : vector<16xf32>
    %slice3A_622 = vector.extract_strided_slice %get3A_615 {offsets = [2], sizes = [1], strides = [1]} : vector<16xf32> to vector<1xf32>
    %squeeze3A_623 = vector.extract %slice3A_622[0] : f32 from vector<1xf32>
    %broadcast_in_dim3A_624 = vector.broadcast %squeeze3A_623 : f32 to vector<16xf32>
    %mul3A_625 = arith.mulf %div3A_609, %broadcast_in_dim3A_624 : vector<16xf32>
    %add3A_626 = arith.addf %add3A_621, %mul3A_625 : vector<16xf32>
    %slice3A_627 = vector.extract_strided_slice %get3A_615 {offsets = [4], sizes = [1], strides = [1]} : vector<16xf32> to vector<1xf32>
    %squeeze3A_628 = vector.extract %slice3A_627[0] : f32 from vector<1xf32>
    %broadcast_in_dim3A_629 = vector.broadcast %squeeze3A_628 : f32 to vector<16xf32>
    %mul3A_630 = arith.mulf %div3A_611, %broadcast_in_dim3A_629 : vector<16xf32>
    %add3A_631 = arith.addf %add3A_626, %mul3A_630 : vector<16xf32>
    %slice3A_632 = vector.extract_strided_slice %get3A_615 {offsets = [6], sizes = [1], strides = [1]} : vector<16xf32> to vector<1xf32>
    %squeeze3A_633 = vector.extract %slice3A_632[0] : f32 from vector<1xf32>
    %broadcast_in_dim3A_634 = vector.broadcast %squeeze3A_633 : f32 to vector<16xf32>
    %mul3A_635 = arith.mulf %div3A_613, %broadcast_in_dim3A_634 : vector<16xf32>
    %add3A_636 = arith.addf %add3A_631, %mul3A_635 : vector<16xf32>
    %slice3A_637 = vector.extract_strided_slice %get3A_615 {offsets = [9], sizes = [1], strides = [1]} : vector<16xf32> to vector<1xf32>
    %squeeze3A_638 = vector.extract %slice3A_637[0] : f32 from vector<1xf32>
    %broadcast_in_dim3A_639 = vector.broadcast %squeeze3A_638 : f32 to vector<16xf32>
    %slice3A_640 = vector.extract_strided_slice %get3A_615 {offsets = [1], sizes = [1], strides = [1]} : vector<16xf32> to vector<1xf32>
    %squeeze3A_641 = vector.extract %slice3A_640[0] : f32 from vector<1xf32>
    %broadcast_in_dim3A_642 = vector.broadcast %squeeze3A_641 : f32 to vector<16xf32>
    %mul3A_643 = arith.mulf %div3A, %broadcast_in_dim3A_642 : vector<16xf32>
    %add3A_644 = arith.addf %broadcast_in_dim3A_639, %mul3A_643 : vector<16xf32>
    %slice3A_645 = vector.extract_strided_slice %get3A_615 {offsets = [3], sizes = [1], strides = [1]} : vector<16xf32> to vector<1xf32>
    %squeeze3A_646 = vector.extract %slice3A_645[0] : f32 from vector<1xf32>
    %broadcast_in_dim3A_647 = vector.broadcast %squeeze3A_646 : f32 to vector<16xf32>
    %mul3A_648 = arith.mulf %div3A_609, %broadcast_in_dim3A_647 : vector<16xf32>
    %add3A_649 = arith.addf %add3A_644, %mul3A_648 : vector<16xf32>
    %slice3A_650 = vector.extract_strided_slice %get3A_615 {offsets = [5], sizes = [1], strides = [1]} : vector<16xf32> to vector<1xf32>
    %squeeze3A_651 = vector.extract %slice3A_650[0] : f32 from vector<1xf32>
    %broadcast_in_dim3A_652 = vector.broadcast %squeeze3A_651 : f32 to vector<16xf32>
    %mul3A_653 = arith.mulf %div3A_611, %broadcast_in_dim3A_652 : vector<16xf32>
    %add3A_654 = arith.addf %add3A_649, %mul3A_653 : vector<16xf32>
    %slice3A_655 = vector.extract_strided_slice %get3A_615 {offsets = [7], sizes = [1], strides = [1]} : vector<16xf32> to vector<1xf32>
    %squeeze3A_656 = vector.extract %slice3A_655[0] : f32 from vector<1xf32>
    %broadcast_in_dim3A_657 = vector.broadcast %squeeze3A_656 : f32 to vector<16xf32>
    %mul3A_658 = arith.mulf %div3A_613, %broadcast_in_dim3A_657 : vector<16xf32>
    %add3A_659 = arith.addf %add3A_654, %mul3A_658 : vector<16xf32>
    %max3A_660 = arith.maximumf %add3A_636, %add3A_659 : vector<16xf32>
    %sub3A = arith.subf %add3A_636, %max3A_660 : vector<16xf32>
    %exp3A = math.exp %sub3A : vector<16xf32>
    %sub3A_661 = arith.subf %add3A_659, %max3A_660 : vector<16xf32>
    %exp3A_662 = math.exp %sub3A_661 : vector<16xf32>
    %add3A_663 = arith.addf %exp3A, %exp3A_662 : vector<16xf32>
    %eq3A = arith.constant 0 : i32
    %eq3A_664 = vector.broadcast %eq3A : i32 to vector<16xi32>
    %eq3A_665 = arith.cmpi eq, %iota3A, %eq3A_664 : vector<16xi32>
    %div3A_666 = arith.divf %exp3A, %add3A_663 : vector<16xf32>
    %eq3A_667 = arith.constant 1 : i32
    %eq3A_668 = vector.broadcast %eq3A_667 : i32 to vector<16xi32>
    %eq3A_669 = arith.cmpi eq, %iota3A, %eq3A_668 : vector<16xi32>
    %div3A_670 = arith.divf %exp3A_662, %add3A_663 : vector<16xf32>
    %select_n3A = arith.select %eq3A_669, %div3A_670, %broadcast_in_dim3A_12 : vector<16xi1>, vector<16xf32>
    %select_n3A_671 = arith.select %eq3A_665, %div3A_666, %select_n3A : vector<16xi1>, vector<16xf32>
    %swap3A_672 = arith.constant 0 : index
    %swap3A_673 = tpu.vector_load %arg14[%swap3A_672] {strides = array<i32>} : memref<16xf32, #tpu.memory_space<vmem>>, vector<16xf32>,
    tpu.vector_store %arg14[%swap3A_672], %select_n3A_671 {strides = array<i32>} : memref<16xf32, #tpu.memory_space<vmem>>, vector<16xf32>,
    "tpu.region"() ({
      %run_scoped3A = tpu.sem_alloc : memref<!tpu.dma_semaphore, #tpu.memory_space<semaphore_mem>>
      %dma_start3A_674 = arith.constant 0 : i32
      %dma_start3A_675 = tpu.memref_slice %arg7[%arg1, %dma_start3A_674] : memref<16x16xf32, #tpu.memory_space<hbm>> -> memref<1x16xf32, #tpu.memory_space<hbm>>
      %dma_start3A_676 = tpu.memref_squeeze %dma_start3A_675 : memref<1x16xf32, #tpu.memory_space<hbm>> -> memref<16xf32, #tpu.memory_space<hbm>>
      %dma_start3A_677 = arith.constant 0 : i32
      %dma_start3A_678 = tpu.memref_slice %arg7[%arg1, %dma_start3A_677] : memref<16x16xf32, #tpu.memory_space<hbm>> -> memref<1x16xf32, #tpu.memory_space<hbm>>
      %dma_start3A_679 = tpu.memref_squeeze %dma_start3A_678 : memref<1x16xf32, #tpu.memory_space<hbm>> -> memref<16xf32, #tpu.memory_space<hbm>>
      tpu.enqueue_dma source(%arg14 : memref<16xf32, #tpu.memory_space<vmem>>) target(%dma_start3A_679 : memref<16xf32, #tpu.memory_space<hbm>>) target_semaphore(%run_scoped3A : memref<!tpu.dma_semaphore, #tpu.memory_space<semaphore_mem>>)
      %dma_wait3A_680 = arith.constant 0 : i32
      %dma_wait3A_681 = tpu.memref_slice %arg7[%arg1, %dma_wait3A_680] : memref<16x16xf32, #tpu.memory_space<hbm>> -> memref<1x16xf32, #tpu.memory_space<hbm>>
      %dma_wait3A_682 = tpu.memref_squeeze %dma_wait3A_681 : memref<1x16xf32, #tpu.memory_space<hbm>> -> memref<16xf32, #tpu.memory_space<hbm>>
      %dma_wait3A_683 = arith.constant 0 : i32
      %dma_wait3A_684 = tpu.memref_slice %arg7[%arg1, %dma_wait3A_683] : memref<16x16xf32, #tpu.memory_space<hbm>> -> memref<1x16xf32, #tpu.memory_space<hbm>>
      %dma_wait3A_685 = tpu.memref_squeeze %dma_wait3A_684 : memref<1x16xf32, #tpu.memory_space<hbm>> -> memref<16xf32, #tpu.memory_space<hbm>>
      tpu.wait_dma2 semaphore(%run_scoped3A : memref<!tpu.dma_semaphore, #tpu.memory_space<semaphore_mem>>) src(%arg14 : memref<16xf32, #tpu.memory_space<vmem>>) dst(%dma_wait3A_685 : memref<16xf32, #tpu.memory_space<hbm>>)
      tpu.yield
    }) : () -> ()
    return
  }
}

</mosaic_0001>

<sc_bundles>
// kernel: kernel.3.cloned.1.call-start
scs
__scs_entry_jumppad:
0x0: {  	(pc) =	sbr.rel $0x88, $3  }
0x1: {  	(tag) =	ssettag $0x0;
	lr =	simm.s32 $0x1  }
0x2: {  	[smem:$0x3F9C] =	sst lr;
	_ =	strace $0xD0000000  }
0x3: {  	_ = 	snop  }
0x4: {  	_ = 	snop  }
0x5: {  	_ = 	snop  }
0x6: {  	_ = 	snop  }
0x7: {  	_ = 	snop  }
__scs_overlays_trampoline_lowered:
0x8: {  	[smem:$0x3FAB] =	sst s0  }
0x9: {  	[smem:$0x3FAC] =	sst s1  }
0xa: {  	[smem:$0x3FAD] =	sst s2  }
0xb: {  	[smem:$0x3FAE] =	sst s3  }
0xc: {  	[smem:$0x3FAF] =	sst s4  }
0xd: {  	[smem:$0x3FB0] =	sst s5  }
0xe: {  	[smem:$0x3FB1] =	sst s6  }
0xf: {  	[smem:$0x3FB2] =	sst s7  }
0x10: {  	[smem:$0x3FB3] =	sst s8  }
0x11: {  	[smem:$0x3FB4] =	sst s9;
	s0 =	simm.s32 @!p0 $0x0  }
0x12: {  	s1 =	sld [smem:$0x3F9A];
	s0 =	simm.s32 @p0 $0x1  }
0x13: {  	[smem:$0x3FB5] =	sst s0;
	s0 =	simm.s32 @!p1 $0x0  }
0x14: {  	s2 =	sld [smem:$0x3F99];
	s0 =	simm.s32 @p1 $0x1  }
0x15: {  	[smem:$0x3FB6] =	sst s0;
	s0 =	simm.s32 @!p2 $0x0  }
0x16: {  	s3 =	sld [smem:$0x3FDB];
	s0 =	simm.s32 @p2 $0x1  }
0x17: {  	s4 =	simm.s32 $0x1BF5;
	[smem:$0x3FB8] =	sst s0  }
0x18: {  	s0 =	sld [smem:$0x3F9B];
	_ =	swait.ge [sflag:s4], $0x0  }
0x19: {  	s7 =	sld [smem:$0x3F9C]  }
0x1a: {  	s8 =	sadd.s32 $0xFFFFE003, lr  }
0x1b: {  	s9 =	sadd.s32 $0xFFFFFEF7, lr;
	s5 =	simm.s32 $0xFFFFFFFF;
	p2 =	slt.u32 s8, $0xFFFFF086  }
0x1c: {  	p1 =	slt.u32 s9, $0xF7A;
	s5 =	simm.s32 @!p2 $0x0  }
0x1d: {  	s5 =	simm.s32 @p1 $0x1;
	p0 =	seq.s32 s7, s2  }
0x1e: {  	s7 =	smul.u32 @!p0 $0xF7A, s2;
	p2 =	seq.s32 @!p0 s5, $0x0  }
0x1f: {  	s9 =	smul.u32 $0xF7A, s1;
	s8 =	simm.s32 @!p0 $0x1BF5;
	p2 =	por !p2, p0  }
0x20: {  	[sflag:s8] =	ssyncset.s32 @!p0 $0xFFFFF086;
	s6 =	sadd.s32 @!p0 s3, s7;
	s7 =	simm.s32 @!p0 $0x108  }
0x21: {  	s3 =	sadd.s32 s3, s9;
	s6 =	sadd.s32 @!p0 $0x88, s6;
	s7 =	simm.s32 @p2 $0x1082  }
0x22: {  	[simem:s7], [sflag:s8] =	dma.local @!p0 [hbm:s6], $0xF7A  }
0x23: {  	s9 =	sor.u32 $0xD0000000, s2;
	s6 =	simm.s32 $0x108;
	_ =	swait.ge @!p0 [sflag:s8], $0x0  }
0x24: {  	s3 =	sadd.s32 $0x88, s3;
	s6 =	simm.s32 @!p1 $0x1082;
	[sflag:s4] =	ssyncset.s32 $0xFFFFF086  }
0x25: {  	[simem:s6], [sflag:s4] =	dma.local [hbm:s3], $0xF7A  }
0x26: {  	[smem:$0x3F9C] =	sst s1;
	(tag) =	ssettag s2;
	_ =	strace s9  }
0x27: {  	s1 =	sld [smem:$0x3FAC]  }
0x28: {  	s2 =	sld [smem:$0x3FAD]  }
0x29: {  	s4 =	sld [smem:$0x3FAF]  }
0x2a: {  	p0 =	seq.s32 s5, $0x0;
	s5 =	sld [smem:$0x3FB0]  }
0x2b: {  	s6 =	sld [smem:$0x3FB1]  }
0x2c: {  	s7 =	sld [smem:$0x3FB2]  }
0x2d: {  	s3 =	simm.s32 $0x108;
	s8 =	sld [smem:$0x3FB3]  }
0x2e: {  	s3 =	simm.s32 @!p0 $0x1082;
	s9 =	sld [smem:$0x3FB4]  }
0x2f: {  	lr =	sadd.s32 s0, s3;
	s0 =	sld [smem:$0x3FAB]  }
0x30: {  	s3 =	sld [smem:$0x3FAE]  }
0x31: {  	[smem:$0x3FB7] =	sst s10  }
0x32: {  	s10 =	sld [smem:$0x3FB5];
	_ =	sdelay $0x3  }
0x33: {  	p0 =	seq.s32 s10, $0x1;
	s10 =	sld [smem:$0x3FB7];
	_ =	sdelay $0x3  }
0x34: {  	[smem:$0x3FB7] =	sst s10  }
0x35: {  	s10 =	sld [smem:$0x3FB6];
	_ =	sdelay $0x3  }
0x36: {  	p1 =	seq.s32 s10, $0x1;
	s10 =	sld [smem:$0x3FB7];
	_ =	sdelay $0x3  }
0x37: {  	[smem:$0x3FB7] =	sst s10  }
0x38: {  	s10 =	sld [smem:$0x3FB8]  }
0x39: {  	_ = 	snop;
	(pc) =	sbr.ind lr, $3  }
0x3a: {  	_ = 	snop  }
0x3b: {  	_ = 	snop  }
0x3c: {  	p2 =	seq.s32 s10, $0x1;
	s10 =	sld [smem:$0x3FB7]  }
0x3d: {  	_ =	shalt  }
0x3e: {  	_ =	shalt  }
0x3f: {  	_ =	shalt  }
0x40: {  	_ =	shalt  }
0x41: {  	_ =	shalt  }
0x42: {  	_ =	shalt  }
0x43: {  	_ =	shalt  }
0x44: {  	_ =	shalt  }
0x45: {  	_ =	shalt  }
0x46: {  	_ =	shalt  }
0x47: {  	_ =	shalt  }
0x48: {  	_ =	shalt  }
0x49: {  	_ =	shalt  }
0x4a: {  	_ =	shalt  }
0x4b: {  	_ =	shalt  }
0x4c: {  	_ =	shalt  }
0x4d: {  	_ =	shalt  }
0x4e: {  	_ =	shalt  }
0x4f: {  	_ =	shalt  }
0x50: {  	_ =	shalt  }
0x51: {  	_ =	shalt  }
0x52: {  	_ =	shalt  }
0x53: {  	_ =	shalt  }
0x54: {  	_ =	shalt  }
0x55: {  	_ =	shalt  }
0x56: {  	_ =	shalt  }
0x57: {  	_ =	shalt  }
0x58: {  	_ =	shalt  }
0x59: {  	_ =	shalt  }
0x5a: {  	_ =	shalt  }
0x5b: {  	_ =	shalt  }
0x5c: {  	_ =	shalt  }
0x5d: {  	_ =	shalt  }
0x5e: {  	_ =	shalt  }
0x5f: {  	_ =	shalt  }
0x60: {  	_ =	shalt  }
0x61: {  	_ =	shalt  }
0x62: {  	_ =	shalt  }
0x63: {  	_ =	shalt  }
0x64: {  	_ =	shalt  }
0x65: {  	_ =	shalt  }
0x66: {  	_ =	shalt  }
0x67: {  	_ =	shalt  }
0x68: {  	_ =	shalt  }
0x69: {  	_ =	shalt  }
0x6a: {  	_ =	shalt  }
0x6b: {  	_ =	shalt  }
0x6c: {  	_ =	shalt  }
0x6d: {  	_ =	shalt  }
0x6e: {  	_ =	shalt  }
0x6f: {  	_ =	shalt  }
0x70: {  	_ =	shalt  }
0x71: {  	_ =	shalt  }
0x72: {  	_ =	shalt  }
0x73: {  	_ =	shalt  }
0x74: {  	_ =	shalt  }
0x75: {  	_ =	shalt  }
0x76: {  	_ =	shalt  }
0x77: {  	_ =	shalt  }
0x78: {  	_ =	shalt  }
0x79: {  	_ =	shalt  }
0x7a: {  	_ =	shalt  }
0x7b: {  	_ =	shalt  }
0x7c: {  	_ =	shalt  }
0x7d: {  	_ =	shalt  }
0x7e: {  	_ =	shalt  }
0x7f: {  	_ =	shalt  }
0x80: {  	_ =	shalt  }
0x81: {  	_ =	shalt  }
0x82: {  	_ =	shalt  }
0x83: {  	_ =	shalt  }
0x84: {  	_ =	shalt  }
0x85: {  	_ =	shalt  }
0x86: {  	_ =	shalt  }
0x87: {  	_ =	shalt  }
.Lfunc_end0:
.L_simem_size_0:
called_computation_lowered:
.L_overlay_start_0:
0x88: {  	s0 =	sld [smem:$0x3FD9]  }
0x89: {  	s1 =	sld [smem:$0x3FFE];
	_ =	sdelay $0x3  }
0x8a: {  	s0 =	sadd.s32 s1, s0  }
0x8b: {  	[smem:$0x3FC3] =	sst s0  }
0x8c: {  	_ = 	snop  }
0x8d: {  	s0 =	sld [smem:$0x3FC9]  }
0x8e: {  	s16 =	sld [smem:$0x3FC8]  }
0x8f: {  	s2 =	sld [smem:$0x3FC5]  }
0x90: {  	s3 =	sld [smem:$0x3FD0];
	(tm) =	ssettm $0x1  }
0x91: {  	s4 =	sld [smem:$0x3FFB];
	_ =	sdelay $0x3  }
0x92: {  	_ =	strace s4  }
0x93: {  	s4 =	sld [smem:$0x3FFC];
	_ =	sdelay $0x3  }
0x94: {  	_ =	strace s4  }
0x95: {  	s4 =	sld [smem:$0x3FFD];
	_ =	sdelay $0x3  }
0x96: {  	_ =	strace s4  }
0x97: {  	_ =	strace $0x8FFFFFFF  }
0x98: {  	s17 =	sld [smem:$0x3FDB];
	_ =	sdelay $0x1  }
0x99: {  	s5 =	simm.s32 $_scs_section_size  }
0x9a: {  	s6 =	simm.s32 $_size__tile_overlayer_lowered;
	s7 =	simm.s32 $_tile_overlayer_lowered  }
0x9b: {  	s20 =	simm.s32 $0x1BFF;
	s19 =	sshll.u32 s7, $0x1;
	s4 =	sadd.s32 s5, s17  }
0x9c: {  	s8 =	simm.s32 $0x0;
	s18 =	sshll.u32 s6, $0x1;
	s6 =	sadd.s32 s19, s4  }
0x9d: {  	[timem:s8], [sflag:s20] =	dma.local [hbm:s6], s18  }
0x9e: {  	_ =	swait.ge [sflag:s20], s18  }
0x9f: {  	s5 =	ssub.s32 $0x0, s18;
	[sflag:s20] =	ssyncset.done $0x0  }
0xa0: {  	[sflag:s20] =	ssyncadd.s32 s5;
	_ =	sdelay $0x1  }
0xa1: {  	s21 =	simm.s32 $0x1B8B  }
0xa2: {  	_ =	swait.ge [sflag:s21], $0x1  }
0xa3: {  	[sflag:s21] =	ssyncset.done $0x0  }
0xa4: {  	s23 =	simm.s32 $0x1B8E;
	s22 =	sld [smem:$0x3FFE];
	[sflag:s21] =	ssyncadd.s32 $0xFFFFFFFF  }
0xa5: {  	s24 =	simm.s32 $execute0_lowered;
	[smem:$0x3FD2] =	sst s23  }
0xa6: {  	s6 =	sshll.u32 s24, $0x1;
	_ =	strace $0x80000046;
	[dreg:$0x1] =	wrdreg $0xFFFFFFFF  }
0xa7: {  	s25 =	simm.s32 $_size_execute0_lowered;
	s4 =	sadd.s32 s4, s6;
	[dreg:$0x0] =	wrdreg $0x0  }
0xa8: {  	s6 =	sshll.u32 s25, $0x1;
	[dreg:$0x2] =	wrdreg s4  }
0xa9: {  	[dreg:$0x3] =	wrdreg s6  }
0xaa: {  	[dreg:$0x4] =	wrdreg $0xC0  }
0xab: {  	_ =	task [dreg:s8], $0x5FFFF  }
0xac: {  	[dreg:$0x1] =	wrdreg $0xFFFFFFFF  }
0xad: {  	[dreg:$0x0] =	wrdreg $0x60  }
0xae: {  	[dreg:$0x2] =	wrdreg s0  }
0xaf: {  	[dreg:$0x3] =	wrdreg s16  }
0xb0: {  	[dreg:$0x4] =	wrdreg s22  }
0xb1: {  	[dreg:$0x5] =	wrdreg s3  }
0xb2: {  	[dreg:$0x6] =	wrdreg s2  }
0xb3: {  	[dreg:$0x7] =	wrdreg $0x23000  }
0xb4: {  	[dreg:$0x8] =	wrdreg $0x9  }
0xb5: {  	_ =	task.clear_ibuf [dreg:s8], $0x9FFFF;
	_ =	strace $0x90000046  }
0xb6: {  	s26 =	simm.s32 $0x9;
	_ =	strace $0x80000048  }
0xb7: {  	_ =	swait.ge [sflag:s26], $0x1  }
0xb8: {  	[sflag:s26] =	ssyncadd.s32 $0xFFFFFFFF  }
0xb9: {  	_ =	strace $0x90000048  }
0xba: {  	_ =	sfence  }
0xbb: {  	s28 =	sld [smem:$0x0];
	_ =	sdelay $0x1  }
0xbc: {  	s29 =	srdreg.scid  }
0xbd: {  	s30 =	sshll.u32 s29, $0xD;
	s31 =	sshrl.u32 s29, $0x2  }
0xbe: {  	s1 =	sand.u32 $0x1, s29;
	s2 =	sand.u32 $0x4000, s30;
	s0 =	sadd.s32 s31, s28  }
0xbf: {  	s1 =	sor.u32 s2, s1;
	s0 =	sshll.u32 s0, $0x11  }
0xc0: {  	s0 =	sor.u32 s0, s1  }
0xc1: {  	s0 =	sadd.s32 $0x8F2B, s0  }
0xc2: {  	[sflag:s0] =	ssyncadd.remote.s32 $0x1  }
0xc3: {  	_ =	sfence.sel $0xFFFF  }
0xc4: {  	[dreg:$0x0] =	wrdreg $0xFFFFFFFF;
	(pc) =	sbr.abs _section_cstart, $3  }
0xc5: {  	[dreg:$0x1] =	wrdreg $0xFFFFFFFF  }
0xc6: {  	_ =	task.clear_ibuf [dreg:s8], $0x2FFFF;
	_ =	strace $0x9FFFFFFF  }
0xc7: {  	(tm) =	ssettm $0x7FFFFFFF  }
tec
execute0_lowered:
.L_overlay_start_1:
0x0: {  	(tag) =	ssettag $0x1  }
0x1: {  	s4 =	rddreg [dreg:$0x0]  }
0x2: {  	s5 =	rddreg [dreg:$0x1]  }
0x3: {  	s2 =	rddreg [dreg:$0x2]  }
0x4: {  	s6 =	rddreg [dreg:$0x3]  }
0x5: {  	s7 =	rddreg [dreg:$0x4]  }
0x6: {  	s3 =	rddreg [dreg:$0x5];
	s8 =	simm.s32 $0x0;
	s1 =	stileid.u32  }
0x7: {  	[smem:$0x7FF] =	sst s8;
	s9 =	sshll.u32 s1, $0x8  }
0x8: {  	s0 =	rddreg [dreg:$0x6];
	_ =	strace $0x80000047;
	s4 =	sadd.s32 s4, s9  }
0x9: {  	[tilespmem:s8], [sflag:$0x1] =	stream.linear.gather [hbm4b:s4+s8], $0x800, $0x38;
	[tilespmem:$0x2B00] =	vst v63  }
0xa: {  	s25 =	simm.s32 $0x800;
	s24 =	sadd.s32 s5, s9  }
0xb: {  	[tilespmem:s25], [sflag:$0x1] =	stream.linear.gather [hbm4b:s24+s8], $0x800, $0x38;
	[tilespmem:$0x2B00] =	vst v63  }
0xc: {  	s26 =	sadd.s32 $0x600, s2;
	s4 =	simm.s32 $0x1000  }
0xd: {  	[tilespmem:s4], [sflag:$0x1] =	stream.linear.gather [hbm4b:s26+s8], $0x200, $0x38;
	[tilespmem:$0x2B00] =	vst v63  }
0xe: {  	s28 =	simm.s32 $0x2200  }
0xf: {  	[tilespmem:s28], [sflag:$0x1] =	stream.linear.gather [hbm4b:s6+s8], $0x8, $0x38;
	[tilespmem:$0x2B00] =	vst v63  }
0x10: {  	s29 =	simm.s32 $0x2208  }
0x11: {  	v0 =	vimm.f32 $0.0e+00;
	[tilespmem:s29], [sflag:$0x1] =	stream.linear.gather [hbm4b:s7+s8], $0x2, $0x38;
	[tilespmem:$0x2B00] =	vst v63  }
0x12: {  	[tilespmem:$0x1200] =	vst v0  }
0x13: {  	[tilespmem:$0x1210] =	vst v0  }
0x14: {  	[tilespmem:$0x1220] =	vst v0  }
0x15: {  	[tilespmem:$0x1230] =	vst v0  }
0x16: {  	[tilespmem:$0x1240] =	vst v0  }
0x17: {  	[tilespmem:$0x1280] =	vst v0  }
0x18: {  	[tilespmem:$0x1290] =	vst v0  }
0x19: {  	[tilespmem:$0x12A0] =	vst v0  }
0x1a: {  	[tilespmem:$0x12B0] =	vst v0  }
0x1b: {  	[tilespmem:$0x12C0] =	vst v0  }
0x1c: {  	[tilespmem:$0x1300] =	vst v0  }
0x1d: {  	[tilespmem:$0x1310] =	vst v0  }
0x1e: {  	[tilespmem:$0x1320] =	vst v0  }
0x1f: {  	[tilespmem:$0x1330] =	vst v0  }
0x20: {  	[tilespmem:$0x1340] =	vst v0  }
0x21: {  	[tilespmem:$0x1380] =	vst v0  }
0x22: {  	[tilespmem:$0x1390] =	vst v0  }
0x23: {  	[tilespmem:$0x13A0] =	vst v0  }
0x24: {  	[tilespmem:$0x13B0] =	vst v0  }
0x25: {  	[tilespmem:$0x13C0] =	vst v0  }
0x26: {  	[tilespmem:$0x1400] =	vst v0  }
0x27: {  	[tilespmem:$0x1410] =	vst v0  }
0x28: {  	[tilespmem:$0x1420] =	vst v0  }
0x29: {  	[tilespmem:$0x1430] =	vst v0  }
0x2a: {  	[tilespmem:$0x1440] =	vst v0  }
0x2b: {  	[tilespmem:$0x1480] =	vst v0  }
0x2c: {  	[tilespmem:$0x1490] =	vst v0  }
0x2d: {  	[tilespmem:$0x14A0] =	vst v0  }
0x2e: {  	[tilespmem:$0x14B0] =	vst v0  }
0x2f: {  	[tilespmem:$0x14C0] =	vst v0  }
0x30: {  	[tilespmem:$0x1500] =	vst v0  }
0x31: {  	[tilespmem:$0x1510] =	vst v0  }
0x32: {  	[tilespmem:$0x1520] =	vst v0  }
0x33: {  	[tilespmem:$0x1530] =	vst v0  }
0x34: {  	[tilespmem:$0x1540] =	vst v0  }
0x35: {  	[tilespmem:$0x1580] =	vst v0  }
0x36: {  	[tilespmem:$0x1590] =	vst v0  }
0x37: {  	[tilespmem:$0x15A0] =	vst v0  }
0x38: {  	[tilespmem:$0x15B0] =	vst v0  }
0x39: {  	[tilespmem:$0x15C0] =	vst v0  }
0x3a: {  	[tilespmem:$0x1600] =	vst v0  }
0x3b: {  	[tilespmem:$0x1610] =	vst v0  }
0x3c: {  	[tilespmem:$0x1620] =	vst v0  }
0x3d: {  	[tilespmem:$0x1630] =	vst v0  }
0x3e: {  	[tilespmem:$0x1640] =	vst v0  }
0x3f: {  	[tilespmem:$0x1680] =	vst v0  }
0x40: {  	[tilespmem:$0x1690] =	vst v0  }
0x41: {  	[tilespmem:$0x16A0] =	vst v0  }
0x42: {  	[tilespmem:$0x16B0] =	vst v0  }
0x43: {  	[tilespmem:$0x16C0] =	vst v0  }
0x44: {  	[tilespmem:$0x1700] =	vst v0  }
0x45: {  	[tilespmem:$0x1710] =	vst v0  }
0x46: {  	[tilespmem:$0x1720] =	vst v0  }
0x47: {  	[tilespmem:$0x1730] =	vst v0  }
0x48: {  	[tilespmem:$0x1740] =	vst v0  }
0x49: {  	[tilespmem:$0x1780] =	vst v0  }
0x4a: {  	[tilespmem:$0x1790] =	vst v0  }
0x4b: {  	[tilespmem:$0x17A0] =	vst v0  }
0x4c: {  	[tilespmem:$0x17B0] =	vst v0  }
0x4d: {  	[tilespmem:$0x17C0] =	vst v0  }
0x4e: {  	[tilespmem:$0x1800] =	vst v0  }
0x4f: {  	[tilespmem:$0x1810] =	vst v0  }
0x50: {  	[tilespmem:$0x1820] =	vst v0  }
0x51: {  	[tilespmem:$0x1830] =	vst v0  }
0x52: {  	[tilespmem:$0x1840] =	vst v0  }
0x53: {  	[tilespmem:$0x1880] =	vst v0  }
0x54: {  	[tilespmem:$0x1890] =	vst v0  }
0x55: {  	[tilespmem:$0x18A0] =	vst v0  }
0x56: {  	[tilespmem:$0x18B0] =	vst v0  }
0x57: {  	[tilespmem:$0x18C0] =	vst v0  }
0x58: {  	[tilespmem:$0x1900] =	vst v0  }
0x59: {  	[tilespmem:$0x1910] =	vst v0  }
0x5a: {  	[tilespmem:$0x1920] =	vst v0  }
0x5b: {  	[tilespmem:$0x1930] =	vst v0  }
0x5c: {  	[tilespmem:$0x1940] =	vst v0  }
0x5d: {  	[tilespmem:$0x1980] =	vst v0  }
0x5e: {  	[tilespmem:$0x1990] =	vst v0  }
0x5f: {  	[tilespmem:$0x19A0] =	vst v0  }
0x60: {  	[tilespmem:$0x19B0] =	vst v0  }
0x61: {  	s30 =	simm.s32 $0x1;
	[tilespmem:$0x19C0] =	vst v0  }
0x62: {  	_ =	swait.ge [sflag:s30], $0x800  }
0x63: {  	[sflag:s30] =	ssyncset.done $0x0  }
0x64: {  	[sflag:s30] =	ssyncadd.s32 $0xFFFFF800  }
0x65: {  	_ =	swait.ge [sflag:s30], $0x800  }
0x66: {  	[sflag:s30] =	ssyncset.done $0x0  }
0x67: {  	[sflag:s30] =	ssyncadd.s32 $0xFFFFF800  }
0x68: {  	_ =	swait.ge [sflag:s30], $0x200  }
0x69: {  	[sflag:s30] =	ssyncset.done $0x0  }
0x6a: {  	[sflag:s30] =	ssyncadd.s32 $0xFFFFFE00  }
0x6b: {  	_ =	swait.ge [sflag:s30], $0x8  }
0x6c: {  	[sflag:s30] =	ssyncset.done $0x0  }
0x6d: {  	[sflag:s30] =	ssyncadd.s32 $0xFFFFFFF8  }
0x6e: {  	_ =	swait.ge [sflag:s30], $0x2  }
0x6f: {  	[sflag:s30] =	ssyncset.done $0x0  }
0x70: {  	s31 =	simm.s32 $0x0;
	[sflag:s30] =	ssyncadd.s32 $0xFFFFFFFE  }
0x71: {  	v0 =	vld [tilespmem:s31+$0x0]  }
0x72: {  	v1 =	vld [tilespmem:s31+$0x30]  }
0x73: {  	v2 =	vld [tilespmem:s31+$0x20];
	_ =	sdelay $0x2  }
0x74: {  	v3 =	vld [tilespmem:s31+$0x10];
	v0 =	vshll.u32 v0, $0x2  }
0x75: {  	v6 =	vld [tilespmem:s31+$0x830];
	v1 =	vshll.u32 v1, $0x2  }
0x76: {  	v7 =	vld [tilespmem:s31+$0x820];
	v2 =	vshll.u32 v2, $0x2  }
0x77: {  	v8 =	vld [tilespmem:s31+$0x810];
	v4 =	vor.u32 $0x1, v0  }
0x78: {  	v10 =	vld [tilespmem:s31+$0x800];
	v5 =	vor.u32 $0x2, v1  }
0x79: {  	v9 =	vor.u32 $0x1, v1;
	v12 =	vld.idx.msk [tilespmem:v0+s4+$0x0], $0xffff  }
0x7a: {  	v11 =	vor.u32 $0x3, v1;
	v14 =	vld.idx.msk [tilespmem:v1+s4+$0x0], $0xffff  }
0x7b: {  	v13 =	vor.u32 $0x2, v0;
	v23 =	vld.idx.msk [tilespmem:v2+s4+$0x0], $0xffff  }
0x7c: {  	v18 =	vor.u32 $0x2, v2;
	v15 =	vld.idx.msk [tilespmem:v4+s4+$0x0], $0xffff  }
0x7d: {  	v22 =	vor.u32 $0x1, v2;
	v16 =	vld.idx.msk [tilespmem:v5+s4+$0x0], $0xffff  }
0x7e: {  	v0 =	vor.u32 $0x3, v0;
	v9 =	vld.idx.msk [tilespmem:v9+s4+$0x0], $0xffff  }
0x7f: {  	v1 =	vshll.u32 v3, $0x2;
	v11 =	vld.idx.msk [tilespmem:v11+s4+$0x0], $0xffff  }
0x80: {  	v3 =	vor.u32 $0x3, v2;
	v5 =	vld.idx.msk [tilespmem:v13+s4+$0x0], $0xffff  }
0x81: {  	v4 =	vor.u32 $0x3, v1;
	v18 =	vld.idx.msk [tilespmem:v18+s4+$0x0], $0xffff  }
0x82: {  	v52 =	vor.u32 $0x2, v1;
	v22 =	vld.idx.msk [tilespmem:v22+s4+$0x0], $0xffff  }
0x83: {  	v10 =	vshll.u32 v10, $0x7;
	v20 =	vor.u32 $0x1, v1;
	v17 =	vld.idx.msk [tilespmem:v0+s4+$0x0], $0xffff;
	v0 =	vlaneseq.u32  }
0x84: {  	v19 =	vld.idx.msk [tilespmem:v1+s4+$0x0], $0xffff;
	v1 =	vor.u32 $0x10, v0;
	v25 =	vor.u32 v0, v10  }
0x85: {  	v21 =	vld.idx.msk [tilespmem:v3+s4+$0x0], $0xffff;
	v2 =	vor.u32 $0x20, v0;
	v26 =	vor.u32 v1, v10  }
0x86: {  	v24 =	vld.idx.msk [tilespmem:v4+s4+$0x0], $0xffff;
	v3 =	vor.u32 $0x30, v0;
	v27 =	vor.u32 v2, v10  }
0x87: {  	v13 =	vld.idx.msk [tilespmem:v52+s4+$0x0], $0xffff;
	v4 =	vor.u32 $0x40, v0;
	v28 =	vor.u32 v3, v10  }
0x88: {  	s7 =	simm.s32 $0x1200;
	v8 =	vshll.u32 v8, $0x7;
	v20 =	vld.idx.msk [tilespmem:v20+s4+$0x0], $0xffff;
	v10 =	vor.u32 v4, v10  }
0x89: {  	v53 =	vor.u32 v0, v8;
	[tilespmem:v25+s7+$0x0] =	vst.idx.add.f32.msk $0xffff, v12  }
0x8a: {  	v54 =	vor.u32 v1, v8;
	[tilespmem:v26+s7+$0x0] =	vst.idx.add.f32.msk $0xffff, v15  }
0x8b: {  	v55 =	vor.u32 v2, v8;
	[tilespmem:v27+s7+$0x0] =	vst.idx.add.f32.msk $0xffff, v5  }
0x8c: {  	v56 =	vor.u32 v3, v8;
	v5 =	vimm.f32 $1.000000000e+00;
	[tilespmem:v28+s7+$0x0] =	vst.idx.add.f32.msk $0xffff, v17  }
0x8d: {  	v7 =	vshll.u32 v7, $0x7;
	v8 =	vor.u32 v4, v8;
	[tilespmem:v10+s7+$0x0] =	vst.idx.add.f32.msk $0xffff, v5  }
0x8e: {  	v57 =	vor.u32 v0, v7;
	[tilespmem:v53+s7+$0x0] =	vst.idx.add.f32.msk $0xffff, v19  }
0x8f: {  	v58 =	vor.u32 v1, v7;
	[tilespmem:v54+s7+$0x0] =	vst.idx.add.f32.msk $0xffff, v20  }
0x90: {  	v59 =	vor.u32 v2, v7;
	[tilespmem:v55+s7+$0x0] =	vst.idx.add.f32.msk $0xffff, v13  }
0x91: {  	v60 =	vor.u32 v3, v7;
	[tilespmem:v56+s7+$0x0] =	vst.idx.add.f32.msk $0xffff, v24  }
0x92: {  	v6 =	vshll.u32 v6, $0x7;
	v7 =	vor.u32 v4, v7;
	[tilespmem:v8+s7+$0x0] =	vst.idx.add.f32.msk $0xffff, v5  }
0x93: {  	v8 =	vor.u32 v0, v6;
	[tilespmem:v57+s7+$0x0] =	vst.idx.add.f32.msk $0xffff, v23  }
0x94: {  	v61 =	vor.u32 v1, v6;
	[tilespmem:v58+s7+$0x0] =	vst.idx.add.f32.msk $0xffff, v22  }
0x95: {  	v62 =	vor.u32 v2, v6;
	[tilespmem:v59+s7+$0x0] =	vst.idx.add.f32.msk $0xffff, v18  }
0x96: {  	v63 =	vor.u32 v3, v6;
	[tilespmem:v60+s7+$0x0] =	vst.idx.add.f32.msk $0xffff, v21  }
0x97: {  	v6 =	vor.u32 v4, v6;
	[tilespmem:v7+s7+$0x0] =	vst.idx.add.f32.msk $0xffff, v5  }
0x98: {  	[tilespmem:v8+s7+$0x0] =	vst.idx.add.f32.msk $0xffff, v14  }
0x99: {  	[tilespmem:v61+s7+$0x0] =	vst.idx.add.f32.msk $0xffff, v9  }
0x9a: {  	[tilespmem:v62+s7+$0x0] =	vst.idx.add.f32.msk $0xffff, v16  }
0x9b: {  	s2 =	sadd.s32 $0x800, s2;
	s5 =	simm.s32 $0x100;
	[tilespmem:v63+s7+$0x0] =	vst.idx.add.f32.msk $0xffff, v11  }
.LBB2_1:
0x9c: {  	s6 =	sshra.s32 s5, $0x2;
	p0 =	sne.s32 s5, $0x1F00;
	s5 =	sadd.s32 $0x100, s5;
	[tilespmem:v6+s7+$0x0] =	vst.idx.add.f32.msk $0xffff, v5  }
0x9d: {  	v6 =	vld [tilespmem:s6+$0x0]  }
0x9e: {  	v7 =	vld [tilespmem:s6+$0x30];
	_ =	sdelay $0x1  }
0x9f: {  	v8 =	vld [tilespmem:s6+$0x20]  }
0xa0: {  	v9 =	vld [tilespmem:s6+$0x10]  }
0xa1: {  	v6 =	vshll.u32 v6, $0x2  }
0xa2: {  	v10 =	vor.u32 $0x1, v6;
	v11 =	vor.u32 $0x3, v6;
	v12 =	vld [tilespmem:s6+$0x830];
	v7 =	vshll.u32 v7, $0x2  }
0xa3: {  	v13 =	vor.u32 $0x2, v6;
	v14 =	vld [tilespmem:s6+$0x820];
	v15 =	vor.u32 $0x1, v7;
	v16 =	vor.u32 $0x2, v7  }
0xa4: {  	v18 =	vor.u32 $0x3, v7;
	v17 =	vld [tilespmem:s6+$0x810]  }
0xa5: {  	v8 =	vshll.u32 v8, $0x2;
	v19 =	vld [tilespmem:s6+$0x800];
	v9 =	vshll.u32 v9, $0x2  }
0xa6: {  	v21 =	vor.u32 $0x1, v8;
	v22 =	vor.u32 $0x3, v8;
	v6 =	vld.idx.msk [tilespmem:v6+s4+$0x0], $0xffff;
	v20 =	vor.u32 $0x2, v9  }
0xa7: {  	v25 =	vor.u32 $0x2, v8;
	v23 =	vor.u32 $0x1, v9;
	v24 =	vor.u32 $0x3, v9;
	v7 =	vld.idx.msk [tilespmem:v7+s4+$0x0], $0xffff  }
0xa8: {  	v12 =	vshll.u32 v12, $0x7;
	v10 =	vld.idx.msk [tilespmem:v10+s4+$0x0], $0xffff;
	v14 =	vshll.u32 v14, $0x7  }
0xa9: {  	v16 =	vld.idx.msk [tilespmem:v16+s4+$0x0], $0xffff;
	v17 =	vshll.u32 v17, $0x7  }
0xaa: {  	v15 =	vld.idx.msk [tilespmem:v15+s4+$0x0], $0xffff;
	v19 =	vshll.u32 v19, $0x7  }
0xab: {  	v18 =	vld.idx.msk [tilespmem:v18+s4+$0x0], $0xffff  }
0xac: {  	v13 =	vld.idx.msk [tilespmem:v13+s4+$0x0], $0xffff  }
0xad: {  	v11 =	vld.idx.msk [tilespmem:v11+s4+$0x0], $0xffff  }
0xae: {  	v9 =	vld.idx.msk [tilespmem:v9+s4+$0x0], $0xffff  }
0xaf: {  	v22 =	vld.idx.msk [tilespmem:v22+s4+$0x0], $0xffff  }
0xb0: {  	v8 =	vld.idx.msk [tilespmem:v8+s4+$0x0], $0xffff  }
0xb1: {  	v26 =	vor.u32 v0, v19;
	v24 =	vld.idx.msk [tilespmem:v24+s4+$0x0], $0xffff  }
0xb2: {  	v27 =	vor.u32 v1, v19;
	v20 =	vld.idx.msk [tilespmem:v20+s4+$0x0], $0xffff  }
0xb3: {  	v28 =	vor.u32 v2, v19;
	v25 =	vld.idx.msk [tilespmem:v25+s4+$0x0], $0xffff  }
0xb4: {  	v29 =	vor.u32 v3, v19;
	v23 =	vld.idx.msk [tilespmem:v23+s4+$0x0], $0xffff  }
0xb5: {  	v19 =	vor.u32 v4, v19;
	v21 =	vld.idx.msk [tilespmem:v21+s4+$0x0], $0xffff  }
0xb6: {  	[tilespmem:v26+s7+$0x0] =	vst.idx.add.f32.msk $0xffff, v6;
	v6 =	vor.u32 v0, v17  }
0xb7: {  	[tilespmem:v27+s7+$0x0] =	vst.idx.add.f32.msk $0xffff, v10;
	v10 =	vor.u32 v1, v17  }
0xb8: {  	[tilespmem:v28+s7+$0x0] =	vst.idx.add.f32.msk $0xffff, v13;
	v13 =	vor.u32 v2, v17  }
0xb9: {  	[tilespmem:v29+s7+$0x0] =	vst.idx.add.f32.msk $0xffff, v11;
	v11 =	vor.u32 v3, v17  }
0xba: {  	v17 =	vor.u32 v4, v17;
	[tilespmem:v19+s7+$0x0] =	vst.idx.add.f32.msk $0xffff, v5  }
0xbb: {  	[tilespmem:v6+s7+$0x0] =	vst.idx.add.f32.msk $0xffff, v9;
	v6 =	vor.u32 v0, v14  }
0xbc: {  	v9 =	vor.u32 v1, v14;
	[tilespmem:v10+s7+$0x0] =	vst.idx.add.f32.msk $0xffff, v23  }
0xbd: {  	v10 =	vor.u32 v2, v14;
	[tilespmem:v13+s7+$0x0] =	vst.idx.add.f32.msk $0xffff, v20  }
0xbe: {  	[tilespmem:v11+s7+$0x0] =	vst.idx.add.f32.msk $0xffff, v24;
	v11 =	vor.u32 v3, v14  }
0xbf: {  	v13 =	vor.u32 v4, v14;
	[tilespmem:v17+s7+$0x0] =	vst.idx.add.f32.msk $0xffff, v5  }
0xc0: {  	[tilespmem:v6+s7+$0x0] =	vst.idx.add.f32.msk $0xffff, v8;
	v8 =	vor.u32 v0, v12  }
0xc1: {  	[tilespmem:v9+s7+$0x0] =	vst.idx.add.f32.msk $0xffff, v21;
	v9 =	vor.u32 v1, v12  }
0xc2: {  	[tilespmem:v10+s7+$0x0] =	vst.idx.add.f32.msk $0xffff, v25;
	v10 =	vor.u32 v2, v12  }
0xc3: {  	[tilespmem:v11+s7+$0x0] =	vst.idx.add.f32.msk $0xffff, v22;
	v11 =	vor.u32 v3, v12  }
.Ltmp0:
0xc4: {  	v6 =	vor.u32 v4, v12;
	[tilespmem:v13+s7+$0x0] =	vst.idx.add.f32.msk $0xffff, v5;
	(pc) =	sbr.rel @p0 .LBB2_1-.Ltmp0, $4  }
0xc5: {  	[tilespmem:v8+s7+$0x0] =	vst.idx.add.f32.msk $0xffff, v7  }
0xc6: {  	[tilespmem:v9+s7+$0x0] =	vst.idx.add.f32.msk $0xffff, v15  }
0xc7: {  	[tilespmem:v10+s7+$0x0] =	vst.idx.add.f32.msk $0xffff, v16  }
0xc8: {  	[tilespmem:v11+s7+$0x0] =	vst.idx.add.f32.msk $0xffff, v18  }
0xc9: {  	_ = 	snop  }
0xca: {  	s5 =	sshrl.u32 s1, $0x3  }
0xcb: {  	s4 =	sshll.u32 s1, $0x7;
	s21 =	simm.s32 $0x80;
	s8 =	sshll.u32 s5, $0xE  }
0xcc: {  	s22 =	simm.s32 $0x400;
	s6 =	sand.u32 $0x380, s4;
	s20 =	sadd.s32 s8, s3  }
0xcd: {  	[tilespmem:v6+s7+$0x0] =	vst.idx.add.f32.msk $0xffff, v5;
	s9 =	simm.s32 $0x1200;
	s23 =	simm.s32 $0x2;
	s4 =	sadd.s32 s6, s20  }
0xce: {  	[spmem:s4] =	stream.strided.scatter [tilespmem:s9], [sflag:$0x2], $0x800, s22, s21, $0x38;
	[tilespmem:$0x2B00] =	vst v63  }
0xcf: {  	_ =	swait.ge [sflag:s23], $0x800  }
0xd0: {  	[sflag:s23] =	ssyncset.done $0x0  }
0xd1: {  	s24 =	sshll.u32 s1, $0xA;
	s26 =	simm.s32 $0x4000;
	[sflag:s23] =	ssyncadd.s32 $0xFFFFF800  }
0xd2: {  	s28 =	simm.s32 $0x1A00;
	s25 =	sadd.s32 s24, s3;
	[bflag:$0x0] =	sbarrier.arrive $0xFFFF  }
0xd3: {  	[tilespmem:s28], [sflag:$0x2] =	stream.strided.gather [spmem:s25], $0x800, s26, s22, $0x38;
	[tilespmem:$0x2B00] =	vst v63  }
0xd4: {  	_ =	swait.ge [sflag:s23], $0x800  }
0xd5: {  	[sflag:s23] =	ssyncset.done $0x0  }
0xd6: {  	[sflag:s23] =	ssyncadd.s32 $0xFFFFF800  }
0xd7: {  	v0 =	vld [tilespmem:$0x1A00]  }
0xd8: {  	v1 =	vld [tilespmem:$0x1A80]  }
0xd9: {  	v2 =	vld [tilespmem:$0x1B00]  }
0xda: {  	v3 =	vld [tilespmem:$0x1B80]  }
0xdb: {  	v4 =	vld [tilespmem:$0x1C00]  }
0xdc: {  	v57 =	vld [tilespmem:$0x1C80]  }
0xdd: {  	v58 =	vld [tilespmem:$0x1D00]  }
0xde: {  	v7 =	vld [tilespmem:$0x1D80]  }
0xdf: {  	v8 =	vld [tilespmem:$0x1E00]  }
0xe0: {  	v9 =	vld [tilespmem:$0x1E80]  }
0xe1: {  	v10 =	vld [tilespmem:$0x1F00]  }
0xe2: {  	v11 =	vld [tilespmem:$0x1F80]  }
0xe3: {  	v12 =	vld [tilespmem:$0x2000]  }
0xe4: {  	v13 =	vld [tilespmem:$0x2080]  }
0xe5: {  	v14 =	vld [tilespmem:$0x2100]  }
0xe6: {  	v15 =	vld [tilespmem:$0x2180]  }
0xe7: {  	v16 =	vld [tilespmem:$0x1A10]  }
0xe8: {  	v17 =	vld [tilespmem:$0x1A90]  }
0xe9: {  	v18 =	vld [tilespmem:$0x1B10]  }
0xea: {  	v19 =	vld [tilespmem:$0x1B90]  }
0xeb: {  	v20 =	vld [tilespmem:$0x1C10]  }
0xec: {  	v21 =	vld [tilespmem:$0x1C90]  }
0xed: {  	v22 =	vld [tilespmem:$0x1D10]  }
0xee: {  	v23 =	vld [tilespmem:$0x1D90]  }
0xef: {  	v24 =	vld [tilespmem:$0x1E10]  }
0xf0: {  	v25 =	vld [tilespmem:$0x1E90]  }
0xf1: {  	v26 =	vld [tilespmem:$0x1F90]  }
0xf2: {  	v27 =	vld [tilespmem:$0x2090]  }
0xf3: {  	v28 =	vld [tilespmem:$0x2190]  }
0xf4: {  	v59 =	vld [tilespmem:$0x1A20]  }
0xf5: {  	v29 =	vld [tilespmem:$0x1AA0]  }
0xf6: {  	v60 =	vld [tilespmem:$0x1B20]  }
0xf7: {  	v30 =	vld [tilespmem:$0x1BA0]  }
0xf8: {  	v61 =	vld [tilespmem:$0x1C20];
	v0 =	vadd.f32 v1, v0  }
0xf9: {  	v31 =	vld [tilespmem:$0x1CA0]  }
0xfa: {  	v62 =	vld [tilespmem:$0x1D20];
	v0 =	vadd.f32 v2, v0  }
0xfb: {  	v32 =	vld [tilespmem:$0x1DA0]  }
0xfc: {  	v63 =	vld [tilespmem:$0x1E20];
	v0 =	vadd.f32 v3, v0  }
0xfd: {  	v33 =	vld [tilespmem:$0x1EA0]  }
0xfe: {  	v40 =	vld [tilespmem:$0x1F20];
	v0 =	vadd.f32 v4, v0  }
0xff: {  	v34 =	vld [tilespmem:$0x1FA0]  }
0x100: {  	v41 =	vld [tilespmem:$0x2020];
	v0 =	vadd.f32 v57, v0  }
0x101: {  	v35 =	vld [tilespmem:$0x20A0]  }
0x102: {  	v42 =	vld [tilespmem:$0x2120];
	v0 =	vadd.f32 v58, v0  }
0x103: {  	v36 =	vld [tilespmem:$0x21A0]  }
0x104: {  	v44 =	vld [tilespmem:$0x1A40];
	v0 =	vadd.f32 v7, v0  }
0x105: {  	v38 =	vld [tilespmem:$0x1AC0]  }
0x106: {  	v43 =	vld [tilespmem:$0x1A30];
	v0 =	vadd.f32 v8, v0  }
0x107: {  	v46 =	vld [tilespmem:$0x1B40]  }
0x108: {  	v37 =	vld [tilespmem:$0x1AB0];
	v0 =	vadd.f32 v9, v0  }
0x109: {  	v45 =	vld [tilespmem:$0x1B30];
	v16 =	vadd.f32 v17, v16  }
0x10a: {  	v48 =	vld [tilespmem:$0x1BC0];
	v49 =	vadd.f32 v38, v44;
	v0 =	vadd.f32 v10, v0  }
0x10b: {  	v47 =	vld [tilespmem:$0x1BB0];
	v16 =	vadd.f32 v18, v16  }
0x10c: {  	v51 =	vld [tilespmem:$0x1C40];
	v5 =	vadd.f32 v46, v49;
	v0 =	vadd.f32 v11, v0  }
0x10d: {  	v50 =	vld [tilespmem:$0x1C30];
	v16 =	vadd.f32 v19, v16;
	v4 =	vadd.f32 v29, v59  }
0x10e: {  	v53 =	vld [tilespmem:$0x1CC0];
	v0 =	vadd.f32 v12, v0;
	v12 =	vadd.f32 v37, v43  }
0x10f: {  	v52 =	vld [tilespmem:$0x1CB0];
	v5 =	vadd.f32 v48, v5;
	v4 =	vadd.f32 v60, v4  }
0x110: {  	v54 =	vld [tilespmem:$0x1D30];
	v16 =	vadd.f32 v20, v16;
	v12 =	vadd.f32 v45, v12  }
0x111: {  	v55 =	vld [tilespmem:$0x1D40];
	v5 =	vadd.f32 v51, v5;
	v4 =	vadd.f32 v30, v4  }
0x112: {  	v56 =	vld [tilespmem:$0x1DB0];
	v16 =	vadd.f32 v21, v16;
	v12 =	vadd.f32 v47, v12  }
0x113: {  	v1 =	vld [tilespmem:$0x1F10];
	v5 =	vadd.f32 v53, v5;
	v4 =	vadd.f32 v61, v4  }
0x114: {  	v2 =	vld [tilespmem:$0x2010];
	v16 =	vadd.f32 v22, v16;
	v12 =	vadd.f32 v50, v12  }
0x115: {  	v18 =	vld [tilespmem:$0x1F40];
	v4 =	vadd.f32 v31, v4;
	v0 =	vadd.f32 v13, v0  }
0x116: {  	v57 =	vld [tilespmem:$0x1DC0];
	v5 =	vadd.f32 v55, v5;
	v12 =	vadd.f32 v52, v12  }
0x117: {  	v58 =	vld [tilespmem:$0x1E30];
	v4 =	vadd.f32 v62, v4;
	v0 =	vadd.f32 v14, v0  }
0x118: {  	v60 =	vld [tilespmem:$0x1E40];
	v59 =	vadd.f32 v23, v16;
	v6 =	vadd.f32 v54, v12  }
0x119: {  	v61 =	vld [tilespmem:$0x1EB0];
	v4 =	vadd.f32 v32, v4;
	v0 =	vadd.f32 v15, v0  }
0x11a: {  	v62 =	vld [tilespmem:$0x1EC0];
	v15 =	vadd.f32 v24, v59;
	v6 =	vadd.f32 v56, v6  }
0x11b: {  	v5 =	vadd.f32 v57, v5;
	v4 =	vadd.f32 v63, v4;
	v63 =	vld [tilespmem:$0x1F30]  }
0x11c: {  	v3 =	vld [tilespmem:$0x2110];
	v15 =	vadd.f32 v25, v15;
	v6 =	vadd.f32 v58, v6  }
0x11d: {  	v19 =	vld [tilespmem:$0x1FB0];
	v5 =	vadd.f32 v60, v5;
	v4 =	vadd.f32 v33, v4  }
0x11e: {  	v20 =	vld [tilespmem:$0x1FC0];
	v1 =	vadd.f32 v1, v15;
	v6 =	vadd.f32 v61, v6  }
0x11f: {  	v21 =	vld [tilespmem:$0x2030];
	v5 =	vadd.f32 v62, v5;
	v4 =	vadd.f32 v40, v4  }
0x120: {  	v22 =	vld [tilespmem:$0x2040];
	v1 =	vadd.f32 v26, v1;
	v6 =	vadd.f32 v63, v6  }
0x121: {  	v23 =	vld [tilespmem:$0x20B0];
	v5 =	vadd.f32 v18, v5;
	v4 =	vadd.f32 v34, v4  }
0x122: {  	v25 =	vld [tilespmem:$0x20C0];
	v1 =	vadd.f32 v2, v1;
	v24 =	vadd.f32 v19, v6  }
0x123: {  	v5 =	vadd.f32 v20, v5;
	v4 =	vadd.f32 v41, v4;
	v26 =	vld [tilespmem:$0x2130]  }
0x124: {  	v29 =	vld [tilespmem:$0x2140];
	v1 =	vadd.f32 v27, v1;
	v2 =	vadd.f32 v21, v24  }
0x125: {  	v30 =	vld [tilespmem:$0x21B0];
	v5 =	vadd.f32 v22, v5;
	v4 =	vadd.f32 v35, v4  }
0x126: {  	v31 =	vld [tilespmem:$0x21C0];
	v1 =	vadd.f32 v3, v1;
	v2 =	vadd.f32 v23, v2  }
0x127: {  	v4 =	vadd.f32 v42, v4;
	v5 =	vadd.f32 v25, v5  }
0x128: {  	v1 =	vadd.f32 v28, v1;
	v2 =	vadd.f32 v26, v2  }
0x129: {  	(xrf2) =	vadd.scan.msk.f32 $0xffff, v0;
	v32 =	vadd.f32 v36, v4;
	v33 =	vadd.f32 v29, v5  }
0x12a: {  	(xrf2) =	vadd.scan.msk.f32 $0xffff, v1;
	v34 =	vadd.f32 v30, v2  }
0x12b: {  	v35 =	vadd.f32 v31, v33;
	(xrf2) =	vadd.scan.msk.f32 $0xffff, v32  }
0x12c: {  	(xrf2) =	vadd.scan.msk.f32 $0xffff, v34  }
0x12d: {  	(xrf2) =	vadd.scan.msk.f32 $0xffff, v35;
	_ =	sdelay $0x5  }
0x12e: {  	v36, _, _ =	vpop (xrf2)  }
0x12f: {  	v37, _, _ =	vpop (xrf2)  }
0x130: {  	v38, _, _ =	vpop (xrf2)  }
0x131: {  	v39, _, _ =	vpop (xrf2)  }
0x132: {  	v40, _, _ =	vpop (xrf2)  }
0x133: {  	v4 =	vmax.f32 v40, $1.000000000e+00  }
0x134: {  	v4 =	vbroadcast v4, $0xF  }
0x135: {  	v41 =	vld [tilespmem:$0x2200]  }
0x136: {  	(erf) = vrcp.f32 v4;
	_ =	sdelay $0x3  }
0x137: {  	v43 =	vbroadcast v41, $0x0;
	v44 =	vbroadcast v41, $0x8  }
0x138: {  	v45 =	vbroadcast v41, $0x1;
	v46 =	vbroadcast v41, $0x2  }
0x139: {  	v47 =	vbroadcast v41, $0x9;
	v48 =	vbroadcast v41, $0x3  }
0x13a: {  	v50 =	vbroadcast v41, $0x4;
	v51 =	vbroadcast v41, $0x5  }
0x13b: {  	v53 =	vbroadcast v41, $0x6;
	v0 =	vbroadcast v36, $0xF  }
0x13c: {  	v55 =	vbroadcast v41, $0x7;
	v1 =	vbroadcast v37, $0xF;
	v42 =	vpop (erf)  }
0x13d: {  	v2 =	vbroadcast v38, $0xF;
	v0 =	vmul.f32 v42, v0  }
0x13e: {  	v3 =	vbroadcast v39, $0xF;
	v1 =	vmul.f32 v42, v1  }
0x13f: {  	v6 =	vmul.f32 v0, v43;
	v0 =	vmul.f32 v0, v45  }
0x140: {  	v2 =	vmul.f32 v42, v2;
	v49 =	vmul.f32 v1, v46  }
0x141: {  	v1 =	vmul.f32 v1, v48;
	v5 =	vadd.f32 v6, v44;
	v0 =	vadd.f32 v0, v47  }
0x142: {  	v3 =	vmul.f32 v42, v3;
	v52 =	vmul.f32 v2, v50  }
0x143: {  	v54 =	vmul.f32 v2, v51;
	v5 =	vadd.f32 v5, v49;
	v0 =	vadd.f32 v0, v1  }
0x144: {  	v57 =	vmul.f32 v3, v53  }
0x145: {  	v58 =	vmul.f32 v3, v55;
	v56 =	vadd.f32 v5, v52;
	v0 =	vadd.f32 v0, v54;
	_ =	sdelay $0x1  }
0x146: {  	v59 =	vadd.f32 v56, v57;
	v0 =	vadd.f32 v0, v58;
	_ =	sdelay $0x1  }
0x147: {  	v1 =	vmax.f32 v59, v0  }
0x148: {  	v2 =	vsub.f32 v59, v1  }
0x149: {  	v0 =	vsub.f32 v0, v1  }
0x14a: {  	v60 =	vmul.f32 $1.442695020e+00, v2  }
0x14b: {  	v0 =	vmul.f32 $1.442695020e+00, v0  }
0x14c: {  	(erf) = vpow2.f32 v60  }
0x14d: {  	(erf) = vpow2.f32 v0;
	_ =	sdelay $0x7  }
0x14e: {  	v61 =	vpop (erf)  }
0x14f: {  	v62 =	vpop (erf)  }
0x150: {  	v63 =	vadd.f32 v62, v61;
	_ =	sdelay $0x1  }
0x151: {  	(erf) = vrcp.f32 v63;
	_ =	sdelay $0x8  }
0x152: {  	v2 =	vpop (erf)  }
0x153: {  	v1 =	vmul.f32 v2, v62  }
0x154: {  	vm0 =	vcmask $0x3F08;
	s29 =	sshll.u32 s5, $0xA;
	v0 =	vmul.f32 v2, v61  }
0x155: {  	vm15 =	vmmov $0x1;
	s3 =	sor.u32 s6, s29;
	v1 =	vsel vm0, $0x0, v1  }
0x156: {  	s3 =	sshrl.u32 s3, $0x3;
	v0 =	vsel vm15, v0, v1  }
0x157: {  	s30 =	simm.s32 $0x0;
	s31 =	simm.s32 $0x2280;
	s2 =	sadd.s32 s2, s3;
	[tilespmem:$0x2280] =	vst v0  }
0x158: {  	[hbm4b:s2+s30] =	stream.linear.scatter [tilespmem:s31], [sflag:$0x2], $0x80, $0x38;
	[tilespmem:$0x2B00] =	vst v63  }
0x159: {  	_ =	swait.ge [sflag:s23], $0x80  }
0x15a: {  	[sflag:s23] =	ssyncset.done $0x0  }
0x15b: {  	[sflag:s23] =	ssyncadd.s32 $0xFFFFFF80  }
0x15c: {  	_ =	sfence.sel $0x180000  }
0x15d: {  	[bflag:$0x0] =	sbarrier.arrive $0xFFFF  }
0x15e: {  	p0 =	sne.s32 s1, $0x0;
	_ =	strace $0x90000047  }
0x15f: {  	s0 =	sadd.s32 @!p0 $0x100000, s0;
	[bflag:$0x2] =	sbarrier.arrive $0xFFFF  }
0x160: {  	[sflag:s0] =	ssyncadd.tile.s32 @!p0 $0x1;
	_ =	shalt  }
.Lfunc_end2:
_tile_overlayer_lowered:
.L_overlay_start_2:
0x161: {  	(tag) =	ssettag $0x2  }
0x162: {  	s0 =	rddreg [dreg:$0x0];
	s2 =	stileid.u32  }
0x163: {  	s1 =	rddreg [dreg:$0x1];
	p0 =	sne.s32 s2, $0x0  }
0x164: {  	s3 =	rddreg [dreg:$0x2];
	[bflag:$0x3] =	sbarrier.arrive $0xFFFF;
	s2 =	simm.s32 @!p0 $0x1C02  }
0x165: {  	[timem:s3], [sflag:s2] =	dma.local @!p0 [hbm:s0], s1  }
0x166: {  	s0 =	simm.s32 @!p0 $0x2  }
0x167: {  	_ =	swait.ge @!p0 [sflag:s0], s1  }
0x168: {  	s1 =	ssub.s32 @!p0 $0x0, s1;
	[sflag:s0] =	ssyncset.done @!p0 $0x0  }
0x169: {  	[sflag:s0] =	ssyncadd.s32 @!p0 s1  }
0x16a: {  	[bflag:$0x3] =	sbarrier.arrive $0xFFFF  }
0x16b: {  	_ =	shalt  }

</sc_bundles>
